<compile_context>
chip_gen: v7x
topology: tpu7x:2x2x1
jax: 0.10.2.dev20260603
libtpu: 0.0.44.dev20260713+nightly
codegen_flags: <defaults>
</compile_context>

<pallas_src>
import jax
import jax.numpy as jnp
import numpy as np
from jax import lax
from jax.experimental import pallas as pl
from jax.experimental.pallas import tpu as pltpu
from jax.experimental.pallas import tpu_sc as plsc

B, L, D, H, NT, K = 8, 2048, 1024, 16, 32, 1024
DH = D // H
R = B * NT

_SC_CORES = 2
_SC_SUBCORES = 16
_NW = _SC_CORES * _SC_SUBCORES
_ROWS_PER_W = R // _NW


def _lnorm(x, g, b):
    m = jnp.mean(x, axis=1, keepdims=True)
    v = jnp.mean((x - m) ** 2, axis=1, keepdims=True)
    return (x - m) / jnp.sqrt(v + 1e-5) * g + b


def _split(a):
    hi = a.astype(jnp.bfloat16)
    lo = (a - hi.astype(jnp.float32)).astype(jnp.bfloat16)
    return hi, lo


def _dot3(a_parts, b_parts, dims):
    (ah, al), (bh, bl) = a_parts, b_parts
    d = lambda x, y: lax.dot_general(x, y, (dims, ((), ())),
                                     preferred_element_type=jnp.float32)
    return d(ah, bh) + (d(ah, bl) + d(al, bh))


_NT_DIMS = ((1,), (1,))
_NN_DIMS = ((1,), (0,))


def _mm_t(a, b_mat):
    return _dot3(_split(a), _split(b_mat), _NT_DIMS)


def _mm(a, b_mat):
    return _dot3(_split(a), _split(b_mat), _NN_DIMS)


def _attn_body(x_ref, queries_ref, lnqg_ref, lnqb_ref, lnkvg_ref, lnkvb_ref,
               wq_ref, wk_ref, wv_ref, bq_ref, bv_ref, wo_ref, bo_ref,
               q1_ref, kvnh_s, kvnl_s, qth_s, qtl_s):
    b = pl.program_id(0)

    @pl.when(b == 0)
    def _():
        qn = _lnorm(queries_ref[...], lnqg_ref[...], lnqb_ref[...])
        qf = _mm_t(qn, wq_ref[...]) + bq_ref[...]
        for h in range(H):
            qt_h = _mm(qf[:, h * DH:(h + 1) * DH],
                       wk_ref[h * DH:(h + 1) * DH, :])
            hi, lo = _split(qt_h)
            qth_s[h * NT:(h + 1) * NT, :] = hi
            qtl_s[h * NT:(h + 1) * NT, :] = lo

    kvn_hi, kvn_lo = _split(_lnorm(x_ref[0], lnkvg_ref[...], lnkvb_ref[...]))
    kvnh_s[...] = kvn_hi
    kvnl_s[...] = kvn_lo
    kvn_parts = (kvnh_s[...], kvnl_s[...])
    s = _dot3((qth_s[...], qtl_s[...]), kvn_parts, _NT_DIMS) * (1.0 / np.sqrt(DH))
    s = s - jnp.max(s, axis=1, keepdims=True)
    e = jnp.exp(s)
    att = e / jnp.sum(e, axis=1, keepdims=True)
    ctx = _dot3(_split(att), kvn_parts, _NN_DIMS)
    ctx_parts = _split(ctx)
    wv_parts = _split(wv_ref[...])
    o = jnp.concatenate(
        [_dot3(tuple(p[h * NT:(h + 1) * NT, :] for p in ctx_parts),
               tuple(p[h * DH:(h + 1) * DH, :] for p in wv_parts), _NT_DIMS)
         for h in range(H)], axis=1) + bv_ref[...]
    q1_ref[0] = queries_ref[...] + _mm_t(o, wo_ref[...]) + bo_ref[...]


def _mlp_vq_body(q1_ref, lnog_ref, lnob_ref, w1_ref, b1_ref, w2_ref, b2_ref,
                 cb_ref, idx_ref, commit_ref):
    q1 = q1_ref[...]
    hn = _lnorm(q1, lnog_ref[...], lnob_ref[...])
    h1 = _mm_t(hn, w1_ref[...]) + b1_ref[...]
    h1 = 0.5 * h1 * (1.0 + lax.erf(h1 * (1.0 / np.sqrt(2.0))))
    z = q1 + _mm_t(h1, w2_ref[...]) + b2_ref[...]
    cb = cb_ref[...]
    cb_parts = _split(cb)
    cb2 = _mm_t(jnp.ones((1, D), jnp.float32), cb * cb)
    zsq = jnp.sum(z * z, axis=1, keepdims=True)
    d2 = (zsq - 2.0 * _dot3(_split(z), cb_parts, _NT_DIMS)) + cb2
    m = jnp.min(d2, axis=1, keepdims=True)
    ii = lax.broadcasted_iota(jnp.int32, (R, K), 1)
    idx_ref[...] = jnp.min(jnp.where(d2 == m, ii, jnp.int32(2 ** 30)),
                           axis=1, keepdims=True)
    commit_ref[0, 0] = (0.25 / (R * D)) * jnp.sum(m)


def _gather_body(idx_hbm, cb_hbm, zq_hbm, idx_v, rows_v, sem):
    wid = lax.axis_index("s") * _SC_CORES + lax.axis_index("c")
    base = wid * _ROWS_PER_W
    pltpu.sync_copy(idx_hbm.at[pl.ds(base, _ROWS_PER_W)], idx_v)
    pltpu.async_copy(cb_hbm.at[idx_v], rows_v, sem).wait()
    pltpu.sync_copy(rows_v, zq_hbm.at[pl.ds(base, _ROWS_PER_W)])


def kernel(x, queries, ln_q_g, ln_q_b, ln_kv_g, ln_kv_b, w_in, b_in, w_out,
           b_out, ln_o_g, ln_o_b, w1, b1, w2, b2, codebook):
    wq, wk, wv = w_in[:D], w_in[D:2 * D], w_in[2 * D:]
    bq, bv = b_in[None, :D], b_in[None, 2 * D:]
    row = lambda v: v[None, :]

    vspec = pl.BlockSpec((1, D), lambda b: (0, 0))
    mspec = pl.BlockSpec((D, D), lambda b: (0, 0))

    q1 = pl.pallas_call(
        _attn_body,
        grid=(B,),
        in_specs=[
            pl.BlockSpec((1, L, D), lambda b: (b, 0, 0)),
            pl.BlockSpec((NT, D), lambda b: (0, 0)),
            vspec, vspec, vspec, vspec,
            mspec, mspec, mspec,
            vspec, vspec,
            mspec,
            vspec,
        ],
        out_specs=pl.BlockSpec((1, NT, D), lambda b: (b, 0, 0)),
        out_shape=jax.ShapeDtypeStruct((B, NT, D), jnp.float32),
        scratch_shapes=[
            pltpu.VMEM((L, D), jnp.bfloat16),
            pltpu.VMEM((L, D), jnp.bfloat16),
            pltpu.VMEM((H * NT, D), jnp.bfloat16),
            pltpu.VMEM((H * NT, D), jnp.bfloat16),
        ],
        compiler_params=pltpu.CompilerParams(vmem_limit_bytes=100 * 2**20),
    )(x, queries, row(ln_q_g), row(ln_q_b), row(ln_kv_g), row(ln_kv_b),
      wq, wk, wv, bq, bv, w_out, row(b_out))

    idx, commit = pl.pallas_call(
        _mlp_vq_body,
        in_specs=[
            pl.BlockSpec((R, D), lambda: (0, 0)),
            pl.BlockSpec((1, D), lambda: (0, 0)),
            pl.BlockSpec((1, D), lambda: (0, 0)),
            pl.BlockSpec((4 * D, D), lambda: (0, 0)),
            pl.BlockSpec((1, 4 * D), lambda: (0, 0)),
            pl.BlockSpec((D, 4 * D), lambda: (0, 0)),
            pl.BlockSpec((1, D), lambda: (0, 0)),
            pl.BlockSpec((K, D), lambda: (0, 0)),
        ],
        out_specs=[
            pl.BlockSpec((R, 1), lambda: (0, 0)),
            pl.BlockSpec(memory_space=pltpu.SMEM),
        ],
        out_shape=[
            jax.ShapeDtypeStruct((R, 1), jnp.int32),
            jax.ShapeDtypeStruct((1, 1), jnp.float32),
        ],
        compiler_params=pltpu.CompilerParams(vmem_limit_bytes=100 * 2**20),
    )(q1.reshape(R, D), row(ln_o_g), row(ln_o_b), w1, row(b1), w2, row(b2),
      codebook)

    idx = idx.reshape(R)
    zq = pl.kernel(
        _gather_body,
        out_type=jax.ShapeDtypeStruct((R, D), jnp.float32),
        mesh=plsc.VectorSubcoreMesh(core_axis_name="c", subcore_axis_name="s"),
        scratch_types=[
            pltpu.VMEM((_ROWS_PER_W,), jnp.int32),
            pltpu.VMEM((_ROWS_PER_W, D), jnp.float32),
            pltpu.SemaphoreType.DMA,
        ],
    )(idx, codebook)

    return zq.reshape(B, NT, D), idx.reshape(B, NT), commit.reshape(())

# --- scband reference (transcript-rebuilt; emitter-appended) ---
"""Pipeline reference for scband-vqvae-44169443672878 (READ-ONLY COPY).

The authoritative reference and input builder live on the scoring server;
editing this copy changes nothing except your own understanding.
"""

import jax, jax.numpy as jnp
import numpy as np

B, L, D, H, NT, K = 8, 2048, 1024, 16, 32, 1024
DH = D // H

def _ln(x, g, b):
    m = x.mean(-1, keepdims=True)
    v = ((x - m) ** 2).mean(-1, keepdims=True)
    return (x - m) / jnp.sqrt(v + 1e-5) * g + b

def setup_inputs(seed: int = 0) -> dict:
    key = jax.random.key(seed)
    ks = jax.random.split(key, 8)
    return {
        "x": jax.random.normal(ks[0], (B, L, D), dtype=jnp.float32),
        "queries": jax.random.normal(ks[1], (NT, D), dtype=jnp.float32) * 0.02,
        "ln_q_g": jnp.ones((D,), jnp.float32), "ln_q_b": jnp.zeros((D,), jnp.float32),
        "ln_kv_g": jnp.ones((D,), jnp.float32), "ln_kv_b": jnp.zeros((D,), jnp.float32),
        "w_in": jax.random.normal(ks[2], (3 * D, D), dtype=jnp.float32) * 0.02,
        "b_in": jnp.zeros((3 * D,), jnp.float32),
        "w_out": jax.random.normal(ks[3], (D, D), dtype=jnp.float32) * 0.02,
        "b_out": jnp.zeros((D,), jnp.float32),
        "ln_o_g": jnp.ones((D,), jnp.float32), "ln_o_b": jnp.zeros((D,), jnp.float32),
        "w1": jax.random.normal(ks[4], (4 * D, D), dtype=jnp.float32) * 0.02,
        "b1": jnp.zeros((4 * D,), jnp.float32),
        "w2": jax.random.normal(ks[5], (D, 4 * D), dtype=jnp.float32) * 0.02,
        "b2": jnp.zeros((D,), jnp.float32),
        "codebook": jax.random.normal(ks[6], (K, D), dtype=jnp.float32) / np.sqrt(D),
    }

def _forward(x, queries, ln_q_g, ln_q_b, ln_kv_g, ln_kv_b, w_in, b_in, w_out, b_out, ln_o_g, ln_o_b, w1, b1, w2, b2, codebook):
    Bsz = x.shape[0]
    q = jnp.broadcast_to(queries[None], (Bsz, NT, D))
    qn = _ln(q, ln_q_g, ln_q_b)
    kvn = _ln(x, ln_kv_g, ln_kv_b)
    wq, wk, wv = w_in[:D], w_in[D:2 * D], w_in[2 * D:]
    bq, bk, bv = b_in[:D], b_in[D:2 * D], b_in[2 * D:]
    Q = (qn @ wq.T + bq).reshape(Bsz, NT, H, DH).transpose(0, 2, 1, 3)
    Kt = (kvn @ wk.T + bk).reshape(Bsz, L, H, DH).transpose(0, 2, 1, 3)
    V = (kvn @ wv.T + bv).reshape(Bsz, L, H, DH).transpose(0, 2, 1, 3)
    att = jax.nn.softmax(jnp.einsum('bhqd,bhkd->bhqk', Q, Kt) / np.sqrt(DH), axis=-1)
    o = jnp.einsum('bhqk,bhkd->bhqd', att, V).transpose(0, 2, 1, 3).reshape(Bsz, NT, D)
    o = o @ w_out.T + b_out
    q = q + o
    h = _ln(q, ln_o_g, ln_o_b)
    h = jax.nn.gelu(h @ w1.T + b1, approximate=False) @ w2.T + b2
    q = q + h
    z = q.reshape(-1, D)
    d2 = (z * z).sum(1, keepdims=True) - 2.0 * (z @ codebook.T) + (codebook * codebook).sum(1)[None, :]
    idx = jnp.argmin(d2, axis=1)
    zq = jnp.take(codebook, idx, axis=0)
    zq_st = z + jax.lax.stop_gradient(zq - z)
    commit = 0.25 * jnp.mean((z - jax.lax.stop_gradient(zq)) ** 2)
    return zq_st.reshape(Bsz, NT, D), idx.reshape(Bsz, NT), commit

def reference(x, queries, ln_q_g, ln_q_b, ln_kv_g, ln_kv_b, w_in, b_in, w_out, b_out, ln_o_g, ln_o_b, w1, b1, w2, b2, codebook):
    return _forward(x, queries, ln_q_g, ln_q_b, ln_kv_g, ln_kv_b, w_in, b_in, w_out, b_out, ln_o_g, ln_o_b, w1, b1, w2, b2, codebook)

if __name__ == "__main__":
    import jax
    _d = setup_inputs()
    print(jax.jit(kernel)(*tuple(_d.values())))

</pallas_src>

<mosaic_0001>
#map = affine_map<(d0, d1) -> (0)>
#map1 = affine_map<(d0, d1) -> (0, 0)>
module attributes {stable_mosaic.version = 14 : i64} {
  func.func @_gather_body(%arg0: i32, %arg1: i32, %arg2: memref<256xi32, #tpu.memory_space<hbm>>, %arg3: memref<1024x1024xf32, #tpu.memory_space<hbm>>, %arg4: memref<256x1024xf32, #tpu.memory_space<hbm>>, %arg5: memref<8xi32, #tpu.memory_space<vmem>>, %arg6: memref<8x1024xf32, #tpu.memory_space<vmem>>, %arg7: memref<!tpu.dma_semaphore, #tpu.memory_space<semaphore_mem>>) attributes {dimension_semantics = [#tpu.dimension_semantics<core_parallel>, #tpu.dimension_semantics<subcore_parallel>], iteration_bounds = array<i64: 2, 16>, scalar_prefetch = 0 : i64, scratch_operands = 3 : i64, tpu.core_type = #tpu.core_type<sc_vector_subcore>, window_params = [{transform_indices = #map}, {transform_indices = #map1}, {transform_indices = #map1}]} {
    %mul3A = arith.constant 2 : i32
    %mul3A_0 = arith.muli %arg1, %mul3A : i32
    %add3A = arith.addi %mul3A_0, %arg0 : i32
    %mul3A_1 = arith.constant 8 : i32
    %mul3A_2 = arith.muli %add3A, %mul3A_1 : i32
    "tpu.region"() ({
      %run_scoped3A = tpu.sem_alloc : memref<!tpu.dma_semaphore, #tpu.memory_space<semaphore_mem>>
      %dma_start3A_7 = tpu.memref_slice %arg2[%mul3A_2] : memref<256xi32, #tpu.memory_space<hbm>> -> memref<8xi32, #tpu.memory_space<hbm>>
      %dma_start3A_8 = tpu.memref_slice %arg2[%mul3A_2] : memref<256xi32, #tpu.memory_space<hbm>> -> memref<8xi32, #tpu.memory_space<hbm>>
      tpu.enqueue_dma source(%dma_start3A_8 : memref<8xi32, #tpu.memory_space<hbm>>) target(%arg5 : memref<8xi32, #tpu.memory_space<vmem>>) target_semaphore(%run_scoped3A : memref<!tpu.dma_semaphore, #tpu.memory_space<semaphore_mem>>)
      %dma_wait3A_9 = tpu.memref_slice %arg2[%mul3A_2] : memref<256xi32, #tpu.memory_space<hbm>> -> memref<8xi32, #tpu.memory_space<hbm>>
      %dma_wait3A_10 = tpu.memref_slice %arg2[%mul3A_2] : memref<256xi32, #tpu.memory_space<hbm>> -> memref<8xi32, #tpu.memory_space<hbm>>
      tpu.wait_dma2 semaphore(%run_scoped3A : memref<!tpu.dma_semaphore, #tpu.memory_space<semaphore_mem>>) src(%dma_wait3A_10 : memref<8xi32, #tpu.memory_space<hbm>>) dst(%arg5 : memref<8xi32, #tpu.memory_space<vmem>>)
      tpu.yield
    }) : () -> ()
    %dma_start3A = arith.constant 0 : i32
    %dma_start3A_3 = arith.constant 0 : i32
    %dma_start3A_4 = tpu.memref_slice %arg3[%dma_start3A, %dma_start3A_3] : memref<1024x1024xf32, #tpu.memory_space<hbm>> -> memref<1024x1024xf32, #tpu.memory_space<hbm>>
    tpu.enqueue_indirect_dma source(%dma_start3A_4 : memref<1024x1024xf32, #tpu.memory_space<hbm>>) target(%arg6 : memref<8x1024xf32, #tpu.memory_space<vmem>>) offsets(%arg5 : memref<8xi32, #tpu.memory_space<vmem>>) semaphore(%arg7 : memref<!tpu.dma_semaphore, #tpu.memory_space<semaphore_mem>>)
    %dma_wait3A = arith.constant 0 : i32
    %dma_wait3A_5 = arith.constant 0 : i32
    %dma_wait3A_6 = tpu.memref_slice %arg3[%dma_wait3A, %dma_wait3A_5] : memref<1024x1024xf32, #tpu.memory_space<hbm>> -> memref<1024x1024xf32, #tpu.memory_space<hbm>>
    tpu.wait_indirect_dma semaphore(%arg7 : memref<!tpu.dma_semaphore, #tpu.memory_space<semaphore_mem>>) src(%dma_wait3A_6 : memref<1024x1024xf32, #tpu.memory_space<hbm>>) dst(%arg6 : memref<8x1024xf32, #tpu.memory_space<vmem>>)
    "tpu.region"() ({
      %run_scoped3A = tpu.sem_alloc : memref<!tpu.dma_semaphore, #tpu.memory_space<semaphore_mem>>
      %dma_start3A_7 = arith.constant 0 : i32
      %dma_start3A_8 = tpu.memref_slice %arg4[%mul3A_2, %dma_start3A_7] : memref<256x1024xf32, #tpu.memory_space<hbm>> -> memref<8x1024xf32, #tpu.memory_space<hbm>>
      %dma_start3A_9 = arith.constant 0 : i32
      %dma_start3A_10 = tpu.memref_slice %arg4[%mul3A_2, %dma_start3A_9] : memref<256x1024xf32, #tpu.memory_space<hbm>> -> memref<8x1024xf32, #tpu.memory_space<hbm>>
      tpu.enqueue_dma source(%arg6 : memref<8x1024xf32, #tpu.memory_space<vmem>>) target(%dma_start3A_10 : memref<8x1024xf32, #tpu.memory_space<hbm>>) target_semaphore(%run_scoped3A : memref<!tpu.dma_semaphore, #tpu.memory_space<semaphore_mem>>)
      %dma_wait3A_11 = arith.constant 0 : i32
      %dma_wait3A_12 = tpu.memref_slice %arg4[%mul3A_2, %dma_wait3A_11] : memref<256x1024xf32, #tpu.memory_space<hbm>> -> memref<8x1024xf32, #tpu.memory_space<hbm>>
      %dma_wait3A_13 = arith.constant 0 : i32
      %dma_wait3A_14 = tpu.memref_slice %arg4[%mul3A_2, %dma_wait3A_13] : memref<256x1024xf32, #tpu.memory_space<hbm>> -> memref<8x1024xf32, #tpu.memory_space<hbm>>
      tpu.wait_dma2 semaphore(%run_scoped3A : memref<!tpu.dma_semaphore, #tpu.memory_space<semaphore_mem>>) src(%arg6 : memref<8x1024xf32, #tpu.memory_space<vmem>>) dst(%dma_wait3A_14 : memref<8x1024xf32, #tpu.memory_space<hbm>>)
      tpu.yield
    }) : () -> ()
    return
  }
}

module attributes {stable_mosaic.version = 14 : i64} {
  func.func @_mlp_vq_body(%arg0: memref<256x1024xf32, #tpu.memory_space<vmem>>, %arg1: memref<1x1024xf32, #tpu.memory_space<vmem>>, %arg2: memref<1x1024xf32, #tpu.memory_space<vmem>>, %arg3: memref<4096x1024xf32, #tpu.memory_space<vmem>>, %arg4: memref<1x4096xf32, #tpu.memory_space<vmem>>, %arg5: memref<1024x4096xf32, #tpu.memory_space<vmem>>, %arg6: memref<1x1024xf32, #tpu.memory_space<vmem>>, %arg7: memref<1024x1024xf32, #tpu.memory_space<vmem>>, %arg8: memref<256x1xi32, #tpu.memory_space<vmem>>, %arg9: memref<1x1xf32, #tpu.memory_space<smem>>) attributes {dimension_semantics = [], scalar_prefetch = 0 : i64, scratch_operands = 0 : i64, tpu.core_type = #tpu.core_type<tc>} {
    %get3A = arith.constant 0 : index
    %get3A_0 = arith.constant 0 : index
    %get3A_1 = vector.load %arg0[%get3A, %get3A_0] : memref<256x1024xf32, #tpu.memory_space<vmem>>, vector<256x1024xf32>
    %get3A_2 = arith.constant 0 : index
    %get3A_3 = arith.constant 0 : index
    %get3A_4 = vector.load %arg1[%get3A_2, %get3A_3] : memref<1x1024xf32, #tpu.memory_space<vmem>>, vector<1x1024xf32>
    %get3A_5 = arith.constant 0 : index
    %get3A_6 = arith.constant 0 : index
    %get3A_7 = vector.load %arg2[%get3A_5, %get3A_6] : memref<1x1024xf32, #tpu.memory_space<vmem>>, vector<1x1024xf32>
    %reduce_sum3A = arith.constant dense<0.000000e+00> : vector<256xf32>
    %reduce_sum3A_8 = vector.multi_reduction <add>, %get3A_1, %reduce_sum3A [1] : vector<256x1024xf32> to vector<256xf32>
    %broadcast_in_dim3A = vector.shape_cast %reduce_sum3A_8 : vector<256xf32> to vector<256x1xf32>
    %div3A = arith.constant 1.024000e+03 : f32
    %div3A_9 = vector.broadcast %div3A : f32 to vector<256x1xf32>
    %div3A_10 = arith.divf %broadcast_in_dim3A, %div3A_9 : vector<256x1xf32>
    %sub3A = vector.broadcast %div3A_10 : vector<256x1xf32> to vector<256x1024xf32>
    %sub3A_11 = arith.subf %get3A_1, %sub3A : vector<256x1024xf32>
    %integer_pow3A = arith.mulf %sub3A_11, %sub3A_11 : vector<256x1024xf32>
    %reduce_sum3A_12 = arith.constant dense<0.000000e+00> : vector<256xf32>
    %reduce_sum3A_13 = vector.multi_reduction <add>, %integer_pow3A, %reduce_sum3A_12 [1] : vector<256x1024xf32> to vector<256xf32>
    %broadcast_in_dim3A_14 = vector.shape_cast %reduce_sum3A_13 : vector<256xf32> to vector<256x1xf32>
    %div3A_15 = arith.constant 1.024000e+03 : f32
    %div3A_16 = vector.broadcast %div3A_15 : f32 to vector<256x1xf32>
    %div3A_17 = arith.divf %broadcast_in_dim3A_14, %div3A_16 : vector<256x1xf32>
    %sub3A_18 = vector.broadcast %div3A_10 : vector<256x1xf32> to vector<256x1024xf32>
    %sub3A_19 = arith.subf %get3A_1, %sub3A_18 : vector<256x1024xf32>
    %add3A = arith.constant 9.99999974E-6 : f32
    %add3A_20 = vector.broadcast %add3A : f32 to vector<256x1xf32>
    %add3A_21 = arith.addf %div3A_17, %add3A_20 : vector<256x1xf32>
    %sqrt3A = math.sqrt %add3A_21 : vector<256x1xf32>
    %div3A_22 = vector.broadcast %sqrt3A : vector<256x1xf32> to vector<256x1024xf32>
    %div3A_23 = arith.divf %sub3A_19, %div3A_22 : vector<256x1024xf32>
    %mul3A = vector.broadcast %get3A_4 : vector<1x1024xf32> to vector<256x1024xf32>
    %mul3A_24 = arith.mulf %div3A_23, %mul3A : vector<256x1024xf32>
    %add3A_25 = vector.broadcast %get3A_7 : vector<1x1024xf32> to vector<256x1024xf32>
    %add3A_26 = arith.addf %mul3A_24, %add3A_25 : vector<256x1024xf32>
    %get3A_27 = arith.constant 0 : index
    %get3A_28 = arith.constant 0 : index
    %get3A_29 = vector.load %arg3[%get3A_27, %get3A_28] : memref<4096x1024xf32, #tpu.memory_space<vmem>>, vector<4096x1024xf32>
    %convert_element_type3A = arith.truncf %add3A_26 : vector<256x1024xf32> to vector<256x1024xbf16>
    %convert_element_type3A_30 = arith.extf %convert_element_type3A : vector<256x1024xbf16> to vector<256x1024xf32>
    %sub3A_31 = arith.subf %add3A_26, %convert_element_type3A_30 : vector<256x1024xf32>
    %convert_element_type3A_32 = arith.truncf %sub3A_31 : vector<256x1024xf32> to vector<256x1024xbf16>
    %convert_element_type3A_33 = arith.truncf %get3A_29 : vector<4096x1024xf32> to vector<4096x1024xbf16>
    %convert_element_type3A_34 = arith.extf %convert_element_type3A_33 : vector<4096x1024xbf16> to vector<4096x1024xf32>
    %sub3A_35 = arith.subf %get3A_29, %convert_element_type3A_34 : vector<4096x1024xf32>
    %convert_element_type3A_36 = arith.truncf %sub3A_35 : vector<4096x1024xf32> to vector<4096x1024xbf16>
    %dot_general3A = arith.constant dense<0.000000e+00> : vector<256x4096xf32>
    %dot_general3A_37 = tpu.matmul %convert_element_type3A, %convert_element_type3A_33, %dot_general3A {dimension_numbers = #tpu.dot_dimension_numbers<[1], [1], [0], [0], [0, 0, 1, 0], [], []>, transpose_lhs_hint = false} : vector<256x1024xbf16>, vector<4096x1024xbf16>, vector<256x4096xf32> -> vector<256x4096xf32>
    %dot_general3A_38 = arith.constant dense<0.000000e+00> : vector<256x4096xf32>
    %dot_general3A_39 = tpu.matmul %convert_element_type3A, %convert_element_type3A_36, %dot_general3A_38 {dimension_numbers = #tpu.dot_dimension_numbers<[1], [1], [0], [0], [0, 0, 1, 0], [], []>, transpose_lhs_hint = false} : vector<256x1024xbf16>, vector<4096x1024xbf16>, vector<256x4096xf32> -> vector<256x4096xf32>
    %dot_general3A_40 = arith.constant dense<0.000000e+00> : vector<256x4096xf32>
    %dot_general3A_41 = tpu.matmul %convert_element_type3A_32, %convert_element_type3A_33, %dot_general3A_40 {dimension_numbers = #tpu.dot_dimension_numbers<[1], [1], [0], [0], [0, 0, 1, 0], [], []>, transpose_lhs_hint = false} : vector<256x1024xbf16>, vector<4096x1024xbf16>, vector<256x4096xf32> -> vector<256x4096xf32>
    %add3A_42 = arith.addf %dot_general3A_39, %dot_general3A_41 : vector<256x4096xf32>
    %add3A_43 = arith.addf %dot_general3A_37, %add3A_42 : vector<256x4096xf32>
    %get3A_44 = arith.constant 0 : index
    %get3A_45 = arith.constant 0 : index
    %get3A_46 = vector.load %arg4[%get3A_44, %get3A_45] : memref<1x4096xf32, #tpu.memory_space<vmem>>, vector<1x4096xf32>
    %add3A_47 = vector.broadcast %get3A_46 : vector<1x4096xf32> to vector<256x4096xf32>
    %add3A_48 = arith.addf %add3A_43, %add3A_47 : vector<256x4096xf32>
    %mul3A_49 = arith.constant 5.000000e-01 : f32
    %mul3A_50 = vector.broadcast %mul3A_49 : f32 to vector<256x4096xf32>
    %mul3A_51 = arith.mulf %mul3A_50, %add3A_48 : vector<256x4096xf32>
    %mul3A_52 = arith.constant 0.707106769 : f32
    %mul3A_53 = vector.broadcast %mul3A_52 : f32 to vector<256x4096xf32>
    %mul3A_54 = arith.mulf %add3A_48, %mul3A_53 : vector<256x4096xf32>
    %erf3A = math.erf %mul3A_54 : vector<256x4096xf32>
    %add3A_55 = arith.constant 1.000000e+00 : f32
    %add3A_56 = vector.broadcast %add3A_55 : f32 to vector<256x4096xf32>
    %add3A_57 = arith.addf %add3A_56, %erf3A : vector<256x4096xf32>
    %mul3A_58 = arith.mulf %mul3A_51, %add3A_57 : vector<256x4096xf32>
    %get3A_59 = arith.constant 0 : index
    %get3A_60 = arith.constant 0 : index
    %get3A_61 = vector.load %arg5[%get3A_59, %get3A_60] : memref<1024x4096xf32, #tpu.memory_space<vmem>>, vector<1024x4096xf32>
    %convert_element_type3A_62 = arith.truncf %mul3A_58 : vector<256x4096xf32> to vector<256x4096xbf16>
    %convert_element_type3A_63 = arith.extf %convert_element_type3A_62 : vector<256x4096xbf16> to vector<256x4096xf32>
    %sub3A_64 = arith.subf %mul3A_58, %convert_element_type3A_63 : vector<256x4096xf32>
    %convert_element_type3A_65 = arith.truncf %sub3A_64 : vector<256x4096xf32> to vector<256x4096xbf16>
    %convert_element_type3A_66 = arith.truncf %get3A_61 : vector<1024x4096xf32> to vector<1024x4096xbf16>
    %convert_element_type3A_67 = arith.extf %convert_element_type3A_66 : vector<1024x4096xbf16> to vector<1024x4096xf32>
    %sub3A_68 = arith.subf %get3A_61, %convert_element_type3A_67 : vector<1024x4096xf32>
    %convert_element_type3A_69 = arith.truncf %sub3A_68 : vector<1024x4096xf32> to vector<1024x4096xbf16>
    %dot_general3A_70 = arith.constant dense<0.000000e+00> : vector<256x1024xf32>
    %dot_general3A_71 = tpu.matmul %convert_element_type3A_62, %convert_element_type3A_66, %dot_general3A_70 {dimension_numbers = #tpu.dot_dimension_numbers<[1], [1], [0], [0], [0, 0, 1, 0], [], []>, transpose_lhs_hint = false} : vector<256x4096xbf16>, vector<1024x4096xbf16>, vector<256x1024xf32> -> vector<256x1024xf32>
    %dot_general3A_72 = arith.constant dense<0.000000e+00> : vector<256x1024xf32>
    %dot_general3A_73 = tpu.matmul %convert_element_type3A_62, %convert_element_type3A_69, %dot_general3A_72 {dimension_numbers = #tpu.dot_dimension_numbers<[1], [1], [0], [0], [0, 0, 1, 0], [], []>, transpose_lhs_hint = false} : vector<256x4096xbf16>, vector<1024x4096xbf16>, vector<256x1024xf32> -> vector<256x1024xf32>
    %dot_general3A_74 = arith.constant dense<0.000000e+00> : vector<256x1024xf32>
    %dot_general3A_75 = tpu.matmul %convert_element_type3A_65, %convert_element_type3A_66, %dot_general3A_74 {dimension_numbers = #tpu.dot_dimension_numbers<[1], [1], [0], [0], [0, 0, 1, 0], [], []>, transpose_lhs_hint = false} : vector<256x4096xbf16>, vector<1024x4096xbf16>, vector<256x1024xf32> -> vector<256x1024xf32>
    %add3A_76 = arith.addf %dot_general3A_73, %dot_general3A_75 : vector<256x1024xf32>
    %add3A_77 = arith.addf %dot_general3A_71, %add3A_76 : vector<256x1024xf32>
    %add3A_78 = arith.addf %get3A_1, %add3A_77 : vector<256x1024xf32>
    %get3A_79 = arith.constant 0 : index
    %get3A_80 = arith.constant 0 : index
    %get3A_81 = vector.load %arg6[%get3A_79, %get3A_80] : memref<1x1024xf32, #tpu.memory_space<vmem>>, vector<1x1024xf32>
    %add3A_82 = vector.broadcast %get3A_81 : vector<1x1024xf32> to vector<256x1024xf32>
    %add3A_83 = arith.addf %add3A_78, %add3A_82 : vector<256x1024xf32>
    %get3A_84 = arith.constant 0 : index
    %get3A_85 = arith.constant 0 : index
    %get3A_86 = vector.load %arg7[%get3A_84, %get3A_85] : memref<1024x1024xf32, #tpu.memory_space<vmem>>, vector<1024x1024xf32>
    %convert_element_type3A_87 = arith.truncf %get3A_86 : vector<1024x1024xf32> to vector<1024x1024xbf16>
    %convert_element_type3A_88 = arith.extf %convert_element_type3A_87 : vector<1024x1024xbf16> to vector<1024x1024xf32>
    %sub3A_89 = arith.subf %get3A_86, %convert_element_type3A_88 : vector<1024x1024xf32>
    %convert_element_type3A_90 = arith.truncf %sub3A_89 : vector<1024x1024xf32> to vector<1024x1024xbf16>
    %broadcast_in_dim3A_91 = arith.constant 1.000000e+00 : f32
    %broadcast_in_dim3A_92 = vector.broadcast %broadcast_in_dim3A_91 : f32 to vector<1x1024xf32>
    %mul3A_93 = arith.mulf %get3A_86, %get3A_86 : vector<1024x1024xf32>
    %convert_element_type3A_94 = arith.truncf %broadcast_in_dim3A_92 : vector<1x1024xf32> to vector<1x1024xbf16>
    %convert_element_type3A_95 = arith.extf %convert_element_type3A_94 : vector<1x1024xbf16> to vector<1x1024xf32>
    %sub3A_96 = arith.subf %broadcast_in_dim3A_92, %convert_element_type3A_95 : vector<1x1024xf32>
    %convert_element_type3A_97 = arith.truncf %sub3A_96 : vector<1x1024xf32> to vector<1x1024xbf16>
    %convert_element_type3A_98 = arith.truncf %mul3A_93 : vector<1024x1024xf32> to vector<1024x1024xbf16>
    %convert_element_type3A_99 = arith.extf %convert_element_type3A_98 : vector<1024x1024xbf16> to vector<1024x1024xf32>
    %sub3A_100 = arith.subf %mul3A_93, %convert_element_type3A_99 : vector<1024x1024xf32>
    %convert_element_type3A_101 = arith.truncf %sub3A_100 : vector<1024x1024xf32> to vector<1024x1024xbf16>
    %dot_general3A_102 = arith.constant dense<0.000000e+00> : vector<1x1024xf32>
    %dot_general3A_103 = tpu.matmul %convert_element_type3A_94, %convert_element_type3A_98, %dot_general3A_102 {dimension_numbers = #tpu.dot_dimension_numbers<[1], [1], [0], [0], [0, 0, 1, 0], [], []>, transpose_lhs_hint = false} : vector<1x1024xbf16>, vector<1024x1024xbf16>, vector<1x1024xf32> -> vector<1x1024xf32>
    %dot_general3A_104 = arith.constant dense<0.000000e+00> : vector<1x1024xf32>
    %dot_general3A_105 = tpu.matmul %convert_element_type3A_94, %convert_element_type3A_101, %dot_general3A_104 {dimension_numbers = #tpu.dot_dimension_numbers<[1], [1], [0], [0], [0, 0, 1, 0], [], []>, transpose_lhs_hint = false} : vector<1x1024xbf16>, vector<1024x1024xbf16>, vector<1x1024xf32> -> vector<1x1024xf32>
    %dot_general3A_106 = arith.constant dense<0.000000e+00> : vector<1x1024xf32>
    %dot_general3A_107 = tpu.matmul %convert_element_type3A_97, %convert_element_type3A_98, %dot_general3A_106 {dimension_numbers = #tpu.dot_dimension_numbers<[1], [1], [0], [0], [0, 0, 1, 0], [], []>, transpose_lhs_hint = false} : vector<1x1024xbf16>, vector<1024x1024xbf16>, vector<1x1024xf32> -> vector<1x1024xf32>
    %add3A_108 = arith.addf %dot_general3A_105, %dot_general3A_107 : vector<1x1024xf32>
    %add3A_109 = arith.addf %dot_general3A_103, %add3A_108 : vector<1x1024xf32>
    %mul3A_110 = arith.mulf %add3A_83, %add3A_83 : vector<256x1024xf32>
    %reduce_sum3A_111 = arith.constant dense<0.000000e+00> : vector<256xf32>
    %reduce_sum3A_112 = vector.multi_reduction <add>, %mul3A_110, %reduce_sum3A_111 [1] : vector<256x1024xf32> to vector<256xf32>
    %broadcast_in_dim3A_113 = vector.shape_cast %reduce_sum3A_112 : vector<256xf32> to vector<256x1xf32>
    %convert_element_type3A_114 = arith.truncf %add3A_83 : vector<256x1024xf32> to vector<256x1024xbf16>
    %convert_element_type3A_115 = arith.extf %convert_element_type3A_114 : vector<256x1024xbf16> to vector<256x1024xf32>
    %sub3A_116 = arith.subf %add3A_83, %convert_element_type3A_115 : vector<256x1024xf32>
    %convert_element_type3A_117 = arith.truncf %sub3A_116 : vector<256x1024xf32> to vector<256x1024xbf16>
    %dot_general3A_118 = arith.constant dense<0.000000e+00> : vector<256x1024xf32>
    %dot_general3A_119 = tpu.matmul %convert_element_type3A_114, %convert_element_type3A_87, %dot_general3A_118 {dimension_numbers = #tpu.dot_dimension_numbers<[1], [1], [0], [0], [0, 0, 1, 0], [], []>, transpose_lhs_hint = false} : vector<256x1024xbf16>, vector<1024x1024xbf16>, vector<256x1024xf32> -> vector<256x1024xf32>
    %dot_general3A_120 = arith.constant dense<0.000000e+00> : vector<256x1024xf32>
    %dot_general3A_121 = tpu.matmul %convert_element_type3A_114, %convert_element_type3A_90, %dot_general3A_120 {dimension_numbers = #tpu.dot_dimension_numbers<[1], [1], [0], [0], [0, 0, 1, 0], [], []>, transpose_lhs_hint = false} : vector<256x1024xbf16>, vector<1024x1024xbf16>, vector<256x1024xf32> -> vector<256x1024xf32>
    %dot_general3A_122 = arith.constant dense<0.000000e+00> : vector<256x1024xf32>
    %dot_general3A_123 = tpu.matmul %convert_element_type3A_117, %convert_element_type3A_87, %dot_general3A_122 {dimension_numbers = #tpu.dot_dimension_numbers<[1], [1], [0], [0], [0, 0, 1, 0], [], []>, transpose_lhs_hint = false} : vector<256x1024xbf16>, vector<1024x1024xbf16>, vector<256x1024xf32> -> vector<256x1024xf32>
    %add3A_124 = arith.addf %dot_general3A_121, %dot_general3A_123 : vector<256x1024xf32>
    %add3A_125 = arith.addf %dot_general3A_119, %add3A_124 : vector<256x1024xf32>
    %mul3A_126 = arith.constant 2.000000e+00 : f32
    %mul3A_127 = vector.broadcast %mul3A_126 : f32 to vector<256x1024xf32>
    %mul3A_128 = arith.mulf %mul3A_127, %add3A_125 : vector<256x1024xf32>
    %sub3A_129 = vector.broadcast %broadcast_in_dim3A_113 : vector<256x1xf32> to vector<256x1024xf32>
    %sub3A_130 = arith.subf %sub3A_129, %mul3A_128 : vector<256x1024xf32>
    %add3A_131 = vector.broadcast %add3A_109 : vector<1x1024xf32> to vector<256x1024xf32>
    %add3A_132 = arith.addf %sub3A_130, %add3A_131 : vector<256x1024xf32>
    %reduce_min3A = arith.constant dense<0x7F800000> : vector<256xf32>
    %reduce_min3A_133 = vector.multi_reduction <minimumf>, %add3A_132, %reduce_min3A [1] : vector<256x1024xf32> to vector<256xf32>
    %broadcast_in_dim3A_134 = vector.shape_cast %reduce_min3A_133 : vector<256xf32> to vector<256x1xf32>
    %iota3A = tpu.iota {dimensions = array<i32: 1>} : vector<256x1024xi32>
    %eq3A = vector.broadcast %broadcast_in_dim3A_134 : vector<256x1xf32> to vector<256x1024xf32>
    %eq3A_135 = arith.cmpf oeq, %add3A_132, %eq3A : vector<256x1024xf32>
    %jit3A = arith.constant 1073741824 : i32
    %broadcast_in_dim3A_136 = vector.broadcast %jit3A : i32 to vector<256x1024xi32>
    %select_n3A = arith.select %eq3A_135, %iota3A, %broadcast_in_dim3A_136 : vector<256x1024xi1>, vector<256x1024xi32>
    %reduce_min3A_137 = arith.constant dense<2147483647> : vector<256xi32>
    %reduce_min3A_138 = vector.multi_reduction <minsi>, %select_n3A, %reduce_min3A_137 [1] : vector<256x1024xi32> to vector<256xi32>
    %broadcast_in_dim3A_139 = vector.shape_cast %reduce_min3A_138 : vector<256xi32> to vector<256x1xi32>
    %swap3A = arith.constant 0 : index
    %swap3A_140 = arith.constant 0 : index
    %swap3A_141 = vector.load %arg8[%swap3A, %swap3A_140] : memref<256x1xi32, #tpu.memory_space<vmem>>, vector<256x1xi32>
    tpu.vector_store %arg8[%swap3A, %swap3A_140], %broadcast_in_dim3A_139 {strides = array<i32>} : memref<256x1xi32, #tpu.memory_space<vmem>>, vector<256x1xi32>,
    %reduce_sum3A_142 = vector.shape_cast %broadcast_in_dim3A_134 : vector<256x1xf32> to vector<1x256x1xf32>
    %reduce_sum3A_143 = arith.constant dense<0.000000e+00> : vector<1xf32>
    %reduce_sum3A_144 = vector.multi_reduction <add>, %reduce_sum3A_142, %reduce_sum3A_143 [1, 2] : vector<1x256x1xf32> to vector<1xf32>
    %reduce_sum3A_145 = vector.shape_cast %reduce_sum3A_144 : vector<1xf32> to vector<1x1x1xf32>
    %reduce_sum3A_146 = vector.extract %reduce_sum3A_145[0, 0, 0] : f32 from vector<1x1x1xf32>
    %mul3A_147 = arith.constant 9.53674316E-7 : f32
    %mul3A_148 = arith.mulf %mul3A_147, %reduce_sum3A_146 : f32
    %swap3A_149 = arith.constant 0 : index
    %swap3A_150 = arith.constant 0 : index
    %swap3A_151 = memref.load %arg9[%swap3A_149, %swap3A_150] : memref<1x1xf32, #tpu.memory_space<smem>>
    memref.store %mul3A_148, %arg9[%swap3A_149, %swap3A_150] : memref<1x1xf32, #tpu.memory_space<smem>>
    return
  }
}

module attributes {stable_mosaic.version = 14 : i64} {
  func.func @_attn_body(%arg0: i32, %arg1: memref<1x2048x1024xf32, #tpu.memory_space<vmem>>, %arg2: memref<32x1024xf32, #tpu.memory_space<vmem>>, %arg3: memref<1x1024xf32, #tpu.memory_space<vmem>>, %arg4: memref<1x1024xf32, #tpu.memory_space<vmem>>, %arg5: memref<1x1024xf32, #tpu.memory_space<vmem>>, %arg6: memref<1x1024xf32, #tpu.memory_space<vmem>>, %arg7: memref<1024x1024xf32, #tpu.memory_space<vmem>>, %arg8: memref<1024x1024xf32, #tpu.memory_space<vmem>>, %arg9: memref<1024x1024xf32, #tpu.memory_space<vmem>>, %arg10: memref<1x1024xf32, #tpu.memory_space<vmem>>, %arg11: memref<1x1024xf32, #tpu.memory_space<vmem>>, %arg12: memref<1024x1024xf32, #tpu.memory_space<vmem>>, %arg13: memref<1x1024xf32, #tpu.memory_space<vmem>>, %arg14: memref<1x32x1024xf32, #tpu.memory_space<vmem>>, %arg15: memref<2048x1024xbf16, #tpu.memory_space<vmem>>, %arg16: memref<2048x1024xbf16, #tpu.memory_space<vmem>>, %arg17: memref<512x1024xbf16, #tpu.memory_space<vmem>>, %arg18: memref<512x1024xbf16, #tpu.memory_space<vmem>>) attributes {dimension_semantics = [#tpu.dimension_semantics<arbitrary>], iteration_bounds = array<i64: 8>, scalar_prefetch = 0 : i64, scratch_operands = 4 : i64, tpu.core_type = #tpu.core_type<tc>, window_params = [{transform_indices = @transform_0, window_bounds = array<i64: 1, 2048, 1024>}, {pipeline_mode = #tpu.pipeline_mode<synchronous>, transform_indices = @transform_1, window_bounds = array<i64: 32, 1024>}, {pipeline_mode = #tpu.pipeline_mode<synchronous>, transform_indices = @transform_2, window_bounds = array<i64: 1, 1024>}, {pipeline_mode = #tpu.pipeline_mode<synchronous>, transform_indices = @transform_3, window_bounds = array<i64: 1, 1024>}, {pipeline_mode = #tpu.pipeline_mode<synchronous>, transform_indices = @transform_4, window_bounds = array<i64: 1, 1024>}, {pipeline_mode = #tpu.pipeline_mode<synchronous>, transform_indices = @transform_5, window_bounds = array<i64: 1, 1024>}, {pipeline_mode = #tpu.pipeline_mode<synchronous>, transform_indices = @transform_6, window_bounds = array<i64: 1024, 1024>}, {pipeline_mode = #tpu.pipeline_mode<synchronous>, transform_indices = @transform_7, window_bounds = array<i64: 1024, 1024>}, {pipeline_mode = #tpu.pipeline_mode<synchronous>, transform_indices = @transform_8, window_bounds = array<i64: 1024, 1024>}, {pipeline_mode = #tpu.pipeline_mode<synchronous>, transform_indices = @transform_9, window_bounds = array<i64: 1, 1024>}, {pipeline_mode = #tpu.pipeline_mode<synchronous>, transform_indices = @transform_10, window_bounds = array<i64: 1, 1024>}, {pipeline_mode = #tpu.pipeline_mode<synchronous>, transform_indices = @transform_11, window_bounds = array<i64: 1024, 1024>}, {pipeline_mode = #tpu.pipeline_mode<synchronous>, transform_indices = @transform_12, window_bounds = array<i64: 1, 1024>}, {transform_indices = @transform_13, window_bounds = array<i64: 1, 32, 1024>}]} {
    %eq3A = arith.constant 0 : i32
    %eq3A_0 = arith.cmpi eq, %arg0, %eq3A : i32
    %convert_element_type3A = arith.extui %eq3A_0 : i1 to i32
    %cond3A = arith.constant 0 : i32
    %cond3A_1 = arith.cmpi ne, %convert_element_type3A, %cond3A : i32
    scf.if %cond3A_1 {
      %get3A_324 = arith.constant 0 : index
      %get3A_325 = arith.constant 0 : index
      %get3A_326 = vector.load %arg2[%get3A_324, %get3A_325] : memref<32x1024xf32, #tpu.memory_space<vmem>>, vector<32x1024xf32>
      %get3A_327 = arith.constant 0 : index
      %get3A_328 = arith.constant 0 : index
      %get3A_329 = vector.load %arg3[%get3A_327, %get3A_328] : memref<1x1024xf32, #tpu.memory_space<vmem>>, vector<1x1024xf32>
      %get3A_330 = arith.constant 0 : index
      %get3A_331 = arith.constant 0 : index
      %get3A_332 = vector.load %arg4[%get3A_330, %get3A_331] : memref<1x1024xf32, #tpu.memory_space<vmem>>, vector<1x1024xf32>
      %reduce_sum3A_333 = arith.constant dense<0.000000e+00> : vector<32xf32>
      %reduce_sum3A_334 = vector.multi_reduction <add>, %get3A_326, %reduce_sum3A_333 [1] : vector<32x1024xf32> to vector<32xf32>
      %broadcast_in_dim3A_335 = vector.shape_cast %reduce_sum3A_334 : vector<32xf32> to vector<32x1xf32>
      %div3A_336 = arith.constant 1.024000e+03 : f32
      %div3A_337 = vector.broadcast %div3A_336 : f32 to vector<32x1xf32>
      %div3A_338 = arith.divf %broadcast_in_dim3A_335, %div3A_337 : vector<32x1xf32>
      %sub3A_339 = vector.broadcast %div3A_338 : vector<32x1xf32> to vector<32x1024xf32>
      %sub3A_340 = arith.subf %get3A_326, %sub3A_339 : vector<32x1024xf32>
      %integer_pow3A_341 = arith.mulf %sub3A_340, %sub3A_340 : vector<32x1024xf32>
      %reduce_sum3A_342 = arith.constant dense<0.000000e+00> : vector<32xf32>
      %reduce_sum3A_343 = vector.multi_reduction <add>, %integer_pow3A_341, %reduce_sum3A_342 [1] : vector<32x1024xf32> to vector<32xf32>
      %broadcast_in_dim3A_344 = vector.shape_cast %reduce_sum3A_343 : vector<32xf32> to vector<32x1xf32>
      %div3A_345 = arith.constant 1.024000e+03 : f32
      %div3A_346 = vector.broadcast %div3A_345 : f32 to vector<32x1xf32>
      %div3A_347 = arith.divf %broadcast_in_dim3A_344, %div3A_346 : vector<32x1xf32>
      %sub3A_348 = vector.broadcast %div3A_338 : vector<32x1xf32> to vector<32x1024xf32>
      %sub3A_349 = arith.subf %get3A_326, %sub3A_348 : vector<32x1024xf32>
      %add3A_350 = arith.constant 9.99999974E-6 : f32
      %add3A_351 = vector.broadcast %add3A_350 : f32 to vector<32x1xf32>
      %add3A_352 = arith.addf %div3A_347, %add3A_351 : vector<32x1xf32>
      %sqrt3A_353 = math.sqrt %add3A_352 : vector<32x1xf32>
      %div3A_354 = vector.broadcast %sqrt3A_353 : vector<32x1xf32> to vector<32x1024xf32>
      %div3A_355 = arith.divf %sub3A_349, %div3A_354 : vector<32x1024xf32>
      %mul3A_356 = vector.broadcast %get3A_329 : vector<1x1024xf32> to vector<32x1024xf32>
      %mul3A_357 = arith.mulf %div3A_355, %mul3A_356 : vector<32x1024xf32>
      %add3A_358 = vector.broadcast %get3A_332 : vector<1x1024xf32> to vector<32x1024xf32>
      %add3A_359 = arith.addf %mul3A_357, %add3A_358 : vector<32x1024xf32>
      %get3A_360 = arith.constant 0 : index
      %get3A_361 = arith.constant 0 : index
      %get3A_362 = vector.load %arg7[%get3A_360, %get3A_361] : memref<1024x1024xf32, #tpu.memory_space<vmem>>, vector<1024x1024xf32>
      %convert_element_type3A_363 = arith.truncf %add3A_359 : vector<32x1024xf32> to vector<32x1024xbf16>
      %convert_element_type3A_364 = arith.extf %convert_element_type3A_363 : vector<32x1024xbf16> to vector<32x1024xf32>
      %sub3A_365 = arith.subf %add3A_359, %convert_element_type3A_364 : vector<32x1024xf32>
      %convert_element_type3A_366 = arith.truncf %sub3A_365 : vector<32x1024xf32> to vector<32x1024xbf16>
      %convert_element_type3A_367 = arith.truncf %get3A_362 : vector<1024x1024xf32> to vector<1024x1024xbf16>
      %convert_element_type3A_368 = arith.extf %convert_element_type3A_367 : vector<1024x1024xbf16> to vector<1024x1024xf32>
      %sub3A_369 = arith.subf %get3A_362, %convert_element_type3A_368 : vector<1024x1024xf32>
      %convert_element_type3A_370 = arith.truncf %sub3A_369 : vector<1024x1024xf32> to vector<1024x1024xbf16>
      %dot_general3A_371 = arith.constant dense<0.000000e+00> : vector<32x1024xf32>
      %dot_general3A_372 = tpu.matmul %convert_element_type3A_363, %convert_element_type3A_367, %dot_general3A_371 {dimension_numbers = #tpu.dot_dimension_numbers<[1], [1], [0], [0], [0, 0, 1, 0], [], []>, transpose_lhs_hint = false} : vector<32x1024xbf16>, vector<1024x1024xbf16>, vector<32x1024xf32> -> vector<32x1024xf32>
      %dot_general3A_373 = arith.constant dense<0.000000e+00> : vector<32x1024xf32>
      %dot_general3A_374 = tpu.matmul %convert_element_type3A_363, %convert_element_type3A_370, %dot_general3A_373 {dimension_numbers = #tpu.dot_dimension_numbers<[1], [1], [0], [0], [0, 0, 1, 0], [], []>, transpose_lhs_hint = false} : vector<32x1024xbf16>, vector<1024x1024xbf16>, vector<32x1024xf32> -> vector<32x1024xf32>
      %dot_general3A_375 = arith.constant dense<0.000000e+00> : vector<32x1024xf32>
      %dot_general3A_376 = tpu.matmul %convert_element_type3A_366, %convert_element_type3A_367, %dot_general3A_375 {dimension_numbers = #tpu.dot_dimension_numbers<[1], [1], [0], [0], [0, 0, 1, 0], [], []>, transpose_lhs_hint = false} : vector<32x1024xbf16>, vector<1024x1024xbf16>, vector<32x1024xf32> -> vector<32x1024xf32>
      %add3A_377 = arith.addf %dot_general3A_374, %dot_general3A_376 : vector<32x1024xf32>
      %add3A_378 = arith.addf %dot_general3A_372, %add3A_377 : vector<32x1024xf32>
      %get3A_379 = arith.constant 0 : index
      %get3A_380 = arith.constant 0 : index
      %get3A_381 = vector.load %arg10[%get3A_379, %get3A_380] : memref<1x1024xf32, #tpu.memory_space<vmem>>, vector<1x1024xf32>
      %add3A_382 = vector.broadcast %get3A_381 : vector<1x1024xf32> to vector<32x1024xf32>
      %add3A_383 = arith.addf %add3A_378, %add3A_382 : vector<32x1024xf32>
      %slice3A_384 = vector.extract_strided_slice %add3A_383 {offsets = [0, 0], sizes = [32, 64], strides = [1, 1]} : vector<32x1024xf32> to vector<32x64xf32>
      %get3A_385 = arith.constant 0 : index
      %get3A_386 = arith.constant 0 : index
      %get3A_387 = vector.load %arg8[%get3A_385, %get3A_386] : memref<1024x1024xf32, #tpu.memory_space<vmem>>, vector<64x1024xf32>
      %convert_element_type3A_388 = arith.truncf %slice3A_384 : vector<32x64xf32> to vector<32x64xbf16>
      %convert_element_type3A_389 = arith.extf %convert_element_type3A_388 : vector<32x64xbf16> to vector<32x64xf32>
      %sub3A_390 = arith.subf %slice3A_384, %convert_element_type3A_389 : vector<32x64xf32>
      %convert_element_type3A_391 = arith.truncf %sub3A_390 : vector<32x64xf32> to vector<32x64xbf16>
      %convert_element_type3A_392 = arith.truncf %get3A_387 : vector<64x1024xf32> to vector<64x1024xbf16>
      %convert_element_type3A_393 = arith.extf %convert_element_type3A_392 : vector<64x1024xbf16> to vector<64x1024xf32>
      %sub3A_394 = arith.subf %get3A_387, %convert_element_type3A_393 : vector<64x1024xf32>
      %convert_element_type3A_395 = arith.truncf %sub3A_394 : vector<64x1024xf32> to vector<64x1024xbf16>
      %dot_general3A_396 = arith.constant dense<0.000000e+00> : vector<32x1024xf32>
      %dot_general3A_397 = tpu.matmul %convert_element_type3A_388, %convert_element_type3A_392, %dot_general3A_396 {dimension_numbers = #tpu.dot_dimension_numbers<[1], [0], [0], [1], [0, 0, 1, 1], [], []>, transpose_lhs_hint = false} : vector<32x64xbf16>, vector<64x1024xbf16>, vector<32x1024xf32> -> vector<32x1024xf32>
      %dot_general3A_398 = arith.constant dense<0.000000e+00> : vector<32x1024xf32>
      %dot_general3A_399 = tpu.matmul %convert_element_type3A_388, %convert_element_type3A_395, %dot_general3A_398 {dimension_numbers = #tpu.dot_dimension_numbers<[1], [0], [0], [1], [0, 0, 1, 1], [], []>, transpose_lhs_hint = false} : vector<32x64xbf16>, vector<64x1024xbf16>, vector<32x1024xf32> -> vector<32x1024xf32>
      %dot_general3A_400 = arith.constant dense<0.000000e+00> : vector<32x1024xf32>
      %dot_general3A_401 = tpu.matmul %convert_element_type3A_391, %convert_element_type3A_392, %dot_general3A_400 {dimension_numbers = #tpu.dot_dimension_numbers<[1], [0], [0], [1], [0, 0, 1, 1], [], []>, transpose_lhs_hint = false} : vector<32x64xbf16>, vector<64x1024xbf16>, vector<32x1024xf32> -> vector<32x1024xf32>
      %add3A_402 = arith.addf %dot_general3A_399, %dot_general3A_401 : vector<32x1024xf32>
      %add3A_403 = arith.addf %dot_general3A_397, %add3A_402 : vector<32x1024xf32>
      %convert_element_type3A_404 = arith.truncf %add3A_403 : vector<32x1024xf32> to vector<32x1024xbf16>
      %convert_element_type3A_405 = arith.extf %convert_element_type3A_404 : vector<32x1024xbf16> to vector<32x1024xf32>
      %sub3A_406 = arith.subf %add3A_403, %convert_element_type3A_405 : vector<32x1024xf32>
      %convert_element_type3A_407 = arith.truncf %sub3A_406 : vector<32x1024xf32> to vector<32x1024xbf16>
      %swap3A_408 = arith.constant 0 : index
      %swap3A_409 = arith.constant 0 : index
      %swap3A_410 = vector.load %arg17[%swap3A_408, %swap3A_409] : memref<512x1024xbf16, #tpu.memory_space<vmem>>, vector<32x1024xbf16>
      tpu.vector_store %arg17[%swap3A_408, %swap3A_409], %convert_element_type3A_404 {strides = array<i32>} : memref<512x1024xbf16, #tpu.memory_space<vmem>>, vector<32x1024xbf16>,
      %swap3A_411 = arith.constant 0 : index
      %swap3A_412 = arith.constant 0 : index
      %swap3A_413 = vector.load %arg18[%swap3A_411, %swap3A_412] : memref<512x1024xbf16, #tpu.memory_space<vmem>>, vector<32x1024xbf16>
      tpu.vector_store %arg18[%swap3A_411, %swap3A_412], %convert_element_type3A_407 {strides = array<i32>} : memref<512x1024xbf16, #tpu.memory_space<vmem>>, vector<32x1024xbf16>,
      %slice3A_414 = vector.extract_strided_slice %add3A_383 {offsets = [0, 64], sizes = [32, 64], strides = [1, 1]} : vector<32x1024xf32> to vector<32x64xf32>
      %get3A_415 = arith.constant 64 : index
      %get3A_416 = arith.constant 0 : index
      %get3A_417 = vector.load %arg8[%get3A_415, %get3A_416] : memref<1024x1024xf32, #tpu.memory_space<vmem>>, vector<64x1024xf32>
      %convert_element_type3A_418 = arith.truncf %slice3A_414 : vector<32x64xf32> to vector<32x64xbf16>
      %convert_element_type3A_419 = arith.extf %convert_element_type3A_418 : vector<32x64xbf16> to vector<32x64xf32>
      %sub3A_420 = arith.subf %slice3A_414, %convert_element_type3A_419 : vector<32x64xf32>
      %convert_element_type3A_421 = arith.truncf %sub3A_420 : vector<32x64xf32> to vector<32x64xbf16>
      %convert_element_type3A_422 = arith.truncf %get3A_417 : vector<64x1024xf32> to vector<64x1024xbf16>
      %convert_element_type3A_423 = arith.extf %convert_element_type3A_422 : vector<64x1024xbf16> to vector<64x1024xf32>
      %sub3A_424 = arith.subf %get3A_417, %convert_element_type3A_423 : vector<64x1024xf32>
      %convert_element_type3A_425 = arith.truncf %sub3A_424 : vector<64x1024xf32> to vector<64x1024xbf16>
      %dot_general3A_426 = arith.constant dense<0.000000e+00> : vector<32x1024xf32>
      %dot_general3A_427 = tpu.matmul %convert_element_type3A_418, %convert_element_type3A_422, %dot_general3A_426 {dimension_numbers = #tpu.dot_dimension_numbers<[1], [0], [0], [1], [0, 0, 1, 1], [], []>, transpose_lhs_hint = false} : vector<32x64xbf16>, vector<64x1024xbf16>, vector<32x1024xf32> -> vector<32x1024xf32>
      %dot_general3A_428 = arith.constant dense<0.000000e+00> : vector<32x1024xf32>
      %dot_general3A_429 = tpu.matmul %convert_element_type3A_418, %convert_element_type3A_425, %dot_general3A_428 {dimension_numbers = #tpu.dot_dimension_numbers<[1], [0], [0], [1], [0, 0, 1, 1], [], []>, transpose_lhs_hint = false} : vector<32x64xbf16>, vector<64x1024xbf16>, vector<32x1024xf32> -> vector<32x1024xf32>
      %dot_general3A_430 = arith.constant dense<0.000000e+00> : vector<32x1024xf32>
      %dot_general3A_431 = tpu.matmul %convert_element_type3A_421, %convert_element_type3A_422, %dot_general3A_430 {dimension_numbers = #tpu.dot_dimension_numbers<[1], [0], [0], [1], [0, 0, 1, 1], [], []>, transpose_lhs_hint = false} : vector<32x64xbf16>, vector<64x1024xbf16>, vector<32x1024xf32> -> vector<32x1024xf32>
      %add3A_432 = arith.addf %dot_general3A_429, %dot_general3A_431 : vector<32x1024xf32>
      %add3A_433 = arith.addf %dot_general3A_427, %add3A_432 : vector<32x1024xf32>
      %convert_element_type3A_434 = arith.truncf %add3A_433 : vector<32x1024xf32> to vector<32x1024xbf16>
      %convert_element_type3A_435 = arith.extf %convert_element_type3A_434 : vector<32x1024xbf16> to vector<32x1024xf32>
      %sub3A_436 = arith.subf %add3A_433, %convert_element_type3A_435 : vector<32x1024xf32>
      %convert_element_type3A_437 = arith.truncf %sub3A_436 : vector<32x1024xf32> to vector<32x1024xbf16>
      %swap3A_438 = arith.constant 32 : index
      %swap3A_439 = arith.constant 0 : index
      %swap3A_440 = vector.load %arg17[%swap3A_438, %swap3A_439] : memref<512x1024xbf16, #tpu.memory_space<vmem>>, vector<32x1024xbf16>
      tpu.vector_store %arg17[%swap3A_438, %swap3A_439], %convert_element_type3A_434 {strides = array<i32>} : memref<512x1024xbf16, #tpu.memory_space<vmem>>, vector<32x1024xbf16>,
      %swap3A_441 = arith.constant 32 : index
      %swap3A_442 = arith.constant 0 : index
      %swap3A_443 = vector.load %arg18[%swap3A_441, %swap3A_442] : memref<512x1024xbf16, #tpu.memory_space<vmem>>, vector<32x1024xbf16>
      tpu.vector_store %arg18[%swap3A_441, %swap3A_442], %convert_element_type3A_437 {strides = array<i32>} : memref<512x1024xbf16, #tpu.memory_space<vmem>>, vector<32x1024xbf16>,
      %slice3A_444 = vector.extract_strided_slice %add3A_383 {offsets = [0, 128], sizes = [32, 64], strides = [1, 1]} : vector<32x1024xf32> to vector<32x64xf32>
      %get3A_445 = arith.constant 128 : index
      %get3A_446 = arith.constant 0 : index
      %get3A_447 = vector.load %arg8[%get3A_445, %get3A_446] : memref<1024x1024xf32, #tpu.memory_space<vmem>>, vector<64x1024xf32>
      %convert_element_type3A_448 = arith.truncf %slice3A_444 : vector<32x64xf32> to vector<32x64xbf16>
      %convert_element_type3A_449 = arith.extf %convert_element_type3A_448 : vector<32x64xbf16> to vector<32x64xf32>
      %sub3A_450 = arith.subf %slice3A_444, %convert_element_type3A_449 : vector<32x64xf32>
      %convert_element_type3A_451 = arith.truncf %sub3A_450 : vector<32x64xf32> to vector<32x64xbf16>
      %convert_element_type3A_452 = arith.truncf %get3A_447 : vector<64x1024xf32> to vector<64x1024xbf16>
      %convert_element_type3A_453 = arith.extf %convert_element_type3A_452 : vector<64x1024xbf16> to vector<64x1024xf32>
      %sub3A_454 = arith.subf %get3A_447, %convert_element_type3A_453 : vector<64x1024xf32>
      %convert_element_type3A_455 = arith.truncf %sub3A_454 : vector<64x1024xf32> to vector<64x1024xbf16>
      %dot_general3A_456 = arith.constant dense<0.000000e+00> : vector<32x1024xf32>
      %dot_general3A_457 = tpu.matmul %convert_element_type3A_448, %convert_element_type3A_452, %dot_general3A_456 {dimension_numbers = #tpu.dot_dimension_numbers<[1], [0], [0], [1], [0, 0, 1, 1], [], []>, transpose_lhs_hint = false} : vector<32x64xbf16>, vector<64x1024xbf16>, vector<32x1024xf32> -> vector<32x1024xf32>
      %dot_general3A_458 = arith.constant dense<0.000000e+00> : vector<32x1024xf32>
      %dot_general3A_459 = tpu.matmul %convert_element_type3A_448, %convert_element_type3A_455, %dot_general3A_458 {dimension_numbers = #tpu.dot_dimension_numbers<[1], [0], [0], [1], [0, 0, 1, 1], [], []>, transpose_lhs_hint = false} : vector<32x64xbf16>, vector<64x1024xbf16>, vector<32x1024xf32> -> vector<32x1024xf32>
      %dot_general3A_460 = arith.constant dense<0.000000e+00> : vector<32x1024xf32>
      %dot_general3A_461 = tpu.matmul %convert_element_type3A_451, %convert_element_type3A_452, %dot_general3A_460 {dimension_numbers = #tpu.dot_dimension_numbers<[1], [0], [0], [1], [0, 0, 1, 1], [], []>, transpose_lhs_hint = false} : vector<32x64xbf16>, vector<64x1024xbf16>, vector<32x1024xf32> -> vector<32x1024xf32>
      %add3A_462 = arith.addf %dot_general3A_459, %dot_general3A_461 : vector<32x1024xf32>
      %add3A_463 = arith.addf %dot_general3A_457, %add3A_462 : vector<32x1024xf32>
      %convert_element_type3A_464 = arith.truncf %add3A_463 : vector<32x1024xf32> to vector<32x1024xbf16>
      %convert_element_type3A_465 = arith.extf %convert_element_type3A_464 : vector<32x1024xbf16> to vector<32x1024xf32>
      %sub3A_466 = arith.subf %add3A_463, %convert_element_type3A_465 : vector<32x1024xf32>
      %convert_element_type3A_467 = arith.truncf %sub3A_466 : vector<32x1024xf32> to vector<32x1024xbf16>
      %swap3A_468 = arith.constant 64 : index
      %swap3A_469 = arith.constant 0 : index
      %swap3A_470 = vector.load %arg17[%swap3A_468, %swap3A_469] : memref<512x1024xbf16, #tpu.memory_space<vmem>>, vector<32x1024xbf16>
      tpu.vector_store %arg17[%swap3A_468, %swap3A_469], %convert_element_type3A_464 {strides = array<i32>} : memref<512x1024xbf16, #tpu.memory_space<vmem>>, vector<32x1024xbf16>,
      %swap3A_471 = arith.constant 64 : index
      %swap3A_472 = arith.constant 0 : index
      %swap3A_473 = vector.load %arg18[%swap3A_471, %swap3A_472] : memref<512x1024xbf16, #tpu.memory_space<vmem>>, vector<32x1024xbf16>
      tpu.vector_store %arg18[%swap3A_471, %swap3A_472], %convert_element_type3A_467 {strides = array<i32>} : memref<512x1024xbf16, #tpu.memory_space<vmem>>, vector<32x1024xbf16>,
      %slice3A_474 = vector.extract_strided_slice %add3A_383 {offsets = [0, 192], sizes = [32, 64], strides = [1, 1]} : vector<32x1024xf32> to vector<32x64xf32>
      %get3A_475 = arith.constant 192 : index
      %get3A_476 = arith.constant 0 : index
      %get3A_477 = vector.load %arg8[%get3A_475, %get3A_476] : memref<1024x1024xf32, #tpu.memory_space<vmem>>, vector<64x1024xf32>
      %convert_element_type3A_478 = arith.truncf %slice3A_474 : vector<32x64xf32> to vector<32x64xbf16>
      %convert_element_type3A_479 = arith.extf %convert_element_type3A_478 : vector<32x64xbf16> to vector<32x64xf32>
      %sub3A_480 = arith.subf %slice3A_474, %convert_element_type3A_479 : vector<32x64xf32>
      %convert_element_type3A_481 = arith.truncf %sub3A_480 : vector<32x64xf32> to vector<32x64xbf16>
      %convert_element_type3A_482 = arith.truncf %get3A_477 : vector<64x1024xf32> to vector<64x1024xbf16>
      %convert_element_type3A_483 = arith.extf %convert_element_type3A_482 : vector<64x1024xbf16> to vector<64x1024xf32>
      %sub3A_484 = arith.subf %get3A_477, %convert_element_type3A_483 : vector<64x1024xf32>
      %convert_element_type3A_485 = arith.truncf %sub3A_484 : vector<64x1024xf32> to vector<64x1024xbf16>
      %dot_general3A_486 = arith.constant dense<0.000000e+00> : vector<32x1024xf32>
      %dot_general3A_487 = tpu.matmul %convert_element_type3A_478, %convert_element_type3A_482, %dot_general3A_486 {dimension_numbers = #tpu.dot_dimension_numbers<[1], [0], [0], [1], [0, 0, 1, 1], [], []>, transpose_lhs_hint = false} : vector<32x64xbf16>, vector<64x1024xbf16>, vector<32x1024xf32> -> vector<32x1024xf32>
      %dot_general3A_488 = arith.constant dense<0.000000e+00> : vector<32x1024xf32>
      %dot_general3A_489 = tpu.matmul %convert_element_type3A_478, %convert_element_type3A_485, %dot_general3A_488 {dimension_numbers = #tpu.dot_dimension_numbers<[1], [0], [0], [1], [0, 0, 1, 1], [], []>, transpose_lhs_hint = false} : vector<32x64xbf16>, vector<64x1024xbf16>, vector<32x1024xf32> -> vector<32x1024xf32>
      %dot_general3A_490 = arith.constant dense<0.000000e+00> : vector<32x1024xf32>
      %dot_general3A_491 = tpu.matmul %convert_element_type3A_481, %convert_element_type3A_482, %dot_general3A_490 {dimension_numbers = #tpu.dot_dimension_numbers<[1], [0], [0], [1], [0, 0, 1, 1], [], []>, transpose_lhs_hint = false} : vector<32x64xbf16>, vector<64x1024xbf16>, vector<32x1024xf32> -> vector<32x1024xf32>
      %add3A_492 = arith.addf %dot_general3A_489, %dot_general3A_491 : vector<32x1024xf32>
      %add3A_493 = arith.addf %dot_general3A_487, %add3A_492 : vector<32x1024xf32>
      %convert_element_type3A_494 = arith.truncf %add3A_493 : vector<32x1024xf32> to vector<32x1024xbf16>
      %convert_element_type3A_495 = arith.extf %convert_element_type3A_494 : vector<32x1024xbf16> to vector<32x1024xf32>
      %sub3A_496 = arith.subf %add3A_493, %convert_element_type3A_495 : vector<32x1024xf32>
      %convert_element_type3A_497 = arith.truncf %sub3A_496 : vector<32x1024xf32> to vector<32x1024xbf16>
      %swap3A_498 = arith.constant 96 : index
      %swap3A_499 = arith.constant 0 : index
      %swap3A_500 = vector.load %arg17[%swap3A_498, %swap3A_499] : memref<512x1024xbf16, #tpu.memory_space<vmem>>, vector<32x1024xbf16>
      tpu.vector_store %arg17[%swap3A_498, %swap3A_499], %convert_element_type3A_494 {strides = array<i32>} : memref<512x1024xbf16, #tpu.memory_space<vmem>>, vector<32x1024xbf16>,
      %swap3A_501 = arith.constant 96 : index
      %swap3A_502 = arith.constant 0 : index
      %swap3A_503 = vector.load %arg18[%swap3A_501, %swap3A_502] : memref<512x1024xbf16, #tpu.memory_space<vmem>>, vector<32x1024xbf16>
      tpu.vector_store %arg18[%swap3A_501, %swap3A_502], %convert_element_type3A_497 {strides = array<i32>} : memref<512x1024xbf16, #tpu.memory_space<vmem>>, vector<32x1024xbf16>,
      %slice3A_504 = vector.extract_strided_slice %add3A_383 {offsets = [0, 256], sizes = [32, 64], strides = [1, 1]} : vector<32x1024xf32> to vector<32x64xf32>
      %get3A_505 = arith.constant 256 : index
      %get3A_506 = arith.constant 0 : index
      %get3A_507 = vector.load %arg8[%get3A_505, %get3A_506] : memref<1024x1024xf32, #tpu.memory_space<vmem>>, vector<64x1024xf32>
      %convert_element_type3A_508 = arith.truncf %slice3A_504 : vector<32x64xf32> to vector<32x64xbf16>
      %convert_element_type3A_509 = arith.extf %convert_element_type3A_508 : vector<32x64xbf16> to vector<32x64xf32>
      %sub3A_510 = arith.subf %slice3A_504, %convert_element_type3A_509 : vector<32x64xf32>
      %convert_element_type3A_511 = arith.truncf %sub3A_510 : vector<32x64xf32> to vector<32x64xbf16>
      %convert_element_type3A_512 = arith.truncf %get3A_507 : vector<64x1024xf32> to vector<64x1024xbf16>
      %convert_element_type3A_513 = arith.extf %convert_element_type3A_512 : vector<64x1024xbf16> to vector<64x1024xf32>
      %sub3A_514 = arith.subf %get3A_507, %convert_element_type3A_513 : vector<64x1024xf32>
      %convert_element_type3A_515 = arith.truncf %sub3A_514 : vector<64x1024xf32> to vector<64x1024xbf16>
      %dot_general3A_516 = arith.constant dense<0.000000e+00> : vector<32x1024xf32>
      %dot_general3A_517 = tpu.matmul %convert_element_type3A_508, %convert_element_type3A_512, %dot_general3A_516 {dimension_numbers = #tpu.dot_dimension_numbers<[1], [0], [0], [1], [0, 0, 1, 1], [], []>, transpose_lhs_hint = false} : vector<32x64xbf16>, vector<64x1024xbf16>, vector<32x1024xf32> -> vector<32x1024xf32>
      %dot_general3A_518 = arith.constant dense<0.000000e+00> : vector<32x1024xf32>
      %dot_general3A_519 = tpu.matmul %convert_element_type3A_508, %convert_element_type3A_515, %dot_general3A_518 {dimension_numbers = #tpu.dot_dimension_numbers<[1], [0], [0], [1], [0, 0, 1, 1], [], []>, transpose_lhs_hint = false} : vector<32x64xbf16>, vector<64x1024xbf16>, vector<32x1024xf32> -> vector<32x1024xf32>
      %dot_general3A_520 = arith.constant dense<0.000000e+00> : vector<32x1024xf32>
      %dot_general3A_521 = tpu.matmul %convert_element_type3A_511, %convert_element_type3A_512, %dot_general3A_520 {dimension_numbers = #tpu.dot_dimension_numbers<[1], [0], [0], [1], [0, 0, 1, 1], [], []>, transpose_lhs_hint = false} : vector<32x64xbf16>, vector<64x1024xbf16>, vector<32x1024xf32> -> vector<32x1024xf32>
      %add3A_522 = arith.addf %dot_general3A_519, %dot_general3A_521 : vector<32x1024xf32>
      %add3A_523 = arith.addf %dot_general3A_517, %add3A_522 : vector<32x1024xf32>
      %convert_element_type3A_524 = arith.truncf %add3A_523 : vector<32x1024xf32> to vector<32x1024xbf16>
      %convert_element_type3A_525 = arith.extf %convert_element_type3A_524 : vector<32x1024xbf16> to vector<32x1024xf32>
      %sub3A_526 = arith.subf %add3A_523, %convert_element_type3A_525 : vector<32x1024xf32>
      %convert_element_type3A_527 = arith.truncf %sub3A_526 : vector<32x1024xf32> to vector<32x1024xbf16>
      %swap3A_528 = arith.constant 128 : index
      %swap3A_529 = arith.constant 0 : index
      %swap3A_530 = vector.load %arg17[%swap3A_528, %swap3A_529] : memref<512x1024xbf16, #tpu.memory_space<vmem>>, vector<32x1024xbf16>
      tpu.vector_store %arg17[%swap3A_528, %swap3A_529], %convert_element_type3A_524 {strides = array<i32>} : memref<512x1024xbf16, #tpu.memory_space<vmem>>, vector<32x1024xbf16>,
      %swap3A_531 = arith.constant 128 : index
      %swap3A_532 = arith.constant 0 : index
      %swap3A_533 = vector.load %arg18[%swap3A_531, %swap3A_532] : memref<512x1024xbf16, #tpu.memory_space<vmem>>, vector<32x1024xbf16>
      tpu.vector_store %arg18[%swap3A_531, %swap3A_532], %convert_element_type3A_527 {strides = array<i32>} : memref<512x1024xbf16, #tpu.memory_space<vmem>>, vector<32x1024xbf16>,
      %slice3A_534 = vector.extract_strided_slice %add3A_383 {offsets = [0, 320], sizes = [32, 64], strides = [1, 1]} : vector<32x1024xf32> to vector<32x64xf32>
      %get3A_535 = arith.constant 320 : index
      %get3A_536 = arith.constant 0 : index
      %get3A_537 = vector.load %arg8[%get3A_535, %get3A_536] : memref<1024x1024xf32, #tpu.memory_space<vmem>>, vector<64x1024xf32>
      %convert_element_type3A_538 = arith.truncf %slice3A_534 : vector<32x64xf32> to vector<32x64xbf16>
      %convert_element_type3A_539 = arith.extf %convert_element_type3A_538 : vector<32x64xbf16> to vector<32x64xf32>
      %sub3A_540 = arith.subf %slice3A_534, %convert_element_type3A_539 : vector<32x64xf32>
      %convert_element_type3A_541 = arith.truncf %sub3A_540 : vector<32x64xf32> to vector<32x64xbf16>
      %convert_element_type3A_542 = arith.truncf %get3A_537 : vector<64x1024xf32> to vector<64x1024xbf16>
      %convert_element_type3A_543 = arith.extf %convert_element_type3A_542 : vector<64x1024xbf16> to vector<64x1024xf32>
      %sub3A_544 = arith.subf %get3A_537, %convert_element_type3A_543 : vector<64x1024xf32>
      %convert_element_type3A_545 = arith.truncf %sub3A_544 : vector<64x1024xf32> to vector<64x1024xbf16>
      %dot_general3A_546 = arith.constant dense<0.000000e+00> : vector<32x1024xf32>
      %dot_general3A_547 = tpu.matmul %convert_element_type3A_538, %convert_element_type3A_542, %dot_general3A_546 {dimension_numbers = #tpu.dot_dimension_numbers<[1], [0], [0], [1], [0, 0, 1, 1], [], []>, transpose_lhs_hint = false} : vector<32x64xbf16>, vector<64x1024xbf16>, vector<32x1024xf32> -> vector<32x1024xf32>
      %dot_general3A_548 = arith.constant dense<0.000000e+00> : vector<32x1024xf32>
      %dot_general3A_549 = tpu.matmul %convert_element_type3A_538, %convert_element_type3A_545, %dot_general3A_548 {dimension_numbers = #tpu.dot_dimension_numbers<[1], [0], [0], [1], [0, 0, 1, 1], [], []>, transpose_lhs_hint = false} : vector<32x64xbf16>, vector<64x1024xbf16>, vector<32x1024xf32> -> vector<32x1024xf32>
      %dot_general3A_550 = arith.constant dense<0.000000e+00> : vector<32x1024xf32>
      %dot_general3A_551 = tpu.matmul %convert_element_type3A_541, %convert_element_type3A_542, %dot_general3A_550 {dimension_numbers = #tpu.dot_dimension_numbers<[1], [0], [0], [1], [0, 0, 1, 1], [], []>, transpose_lhs_hint = false} : vector<32x64xbf16>, vector<64x1024xbf16>, vector<32x1024xf32> -> vector<32x1024xf32>
      %add3A_552 = arith.addf %dot_general3A_549, %dot_general3A_551 : vector<32x1024xf32>
      %add3A_553 = arith.addf %dot_general3A_547, %add3A_552 : vector<32x1024xf32>
      %convert_element_type3A_554 = arith.truncf %add3A_553 : vector<32x1024xf32> to vector<32x1024xbf16>
      %convert_element_type3A_555 = arith.extf %convert_element_type3A_554 : vector<32x1024xbf16> to vector<32x1024xf32>
      %sub3A_556 = arith.subf %add3A_553, %convert_element_type3A_555 : vector<32x1024xf32>
      %convert_element_type3A_557 = arith.truncf %sub3A_556 : vector<32x1024xf32> to vector<32x1024xbf16>
      %swap3A_558 = arith.constant 160 : index
      %swap3A_559 = arith.constant 0 : index
      %swap3A_560 = vector.load %arg17[%swap3A_558, %swap3A_559] : memref<512x1024xbf16, #tpu.memory_space<vmem>>, vector<32x1024xbf16>
      tpu.vector_store %arg17[%swap3A_558, %swap3A_559], %convert_element_type3A_554 {strides = array<i32>} : memref<512x1024xbf16, #tpu.memory_space<vmem>>, vector<32x1024xbf16>,
      %swap3A_561 = arith.constant 160 : index
      %swap3A_562 = arith.constant 0 : index
      %swap3A_563 = vector.load %arg18[%swap3A_561, %swap3A_562] : memref<512x1024xbf16, #tpu.memory_space<vmem>>, vector<32x1024xbf16>
      tpu.vector_store %arg18[%swap3A_561, %swap3A_562], %convert_element_type3A_557 {strides = array<i32>} : memref<512x1024xbf16, #tpu.memory_space<vmem>>, vector<32x1024xbf16>,
      %slice3A_564 = vector.extract_strided_slice %add3A_383 {offsets = [0, 384], sizes = [32, 64], strides = [1, 1]} : vector<32x1024xf32> to vector<32x64xf32>
      %get3A_565 = arith.constant 384 : index
      %get3A_566 = arith.constant 0 : index
      %get3A_567 = vector.load %arg8[%get3A_565, %get3A_566] : memref<1024x1024xf32, #tpu.memory_space<vmem>>, vector<64x1024xf32>
      %convert_element_type3A_568 = arith.truncf %slice3A_564 : vector<32x64xf32> to vector<32x64xbf16>
      %convert_element_type3A_569 = arith.extf %convert_element_type3A_568 : vector<32x64xbf16> to vector<32x64xf32>
      %sub3A_570 = arith.subf %slice3A_564, %convert_element_type3A_569 : vector<32x64xf32>
      %convert_element_type3A_571 = arith.truncf %sub3A_570 : vector<32x64xf32> to vector<32x64xbf16>
      %convert_element_type3A_572 = arith.truncf %get3A_567 : vector<64x1024xf32> to vector<64x1024xbf16>
      %convert_element_type3A_573 = arith.extf %convert_element_type3A_572 : vector<64x1024xbf16> to vector<64x1024xf32>
      %sub3A_574 = arith.subf %get3A_567, %convert_element_type3A_573 : vector<64x1024xf32>
      %convert_element_type3A_575 = arith.truncf %sub3A_574 : vector<64x1024xf32> to vector<64x1024xbf16>
      %dot_general3A_576 = arith.constant dense<0.000000e+00> : vector<32x1024xf32>
      %dot_general3A_577 = tpu.matmul %convert_element_type3A_568, %convert_element_type3A_572, %dot_general3A_576 {dimension_numbers = #tpu.dot_dimension_numbers<[1], [0], [0], [1], [0, 0, 1, 1], [], []>, transpose_lhs_hint = false} : vector<32x64xbf16>, vector<64x1024xbf16>, vector<32x1024xf32> -> vector<32x1024xf32>
      %dot_general3A_578 = arith.constant dense<0.000000e+00> : vector<32x1024xf32>
      %dot_general3A_579 = tpu.matmul %convert_element_type3A_568, %convert_element_type3A_575, %dot_general3A_578 {dimension_numbers = #tpu.dot_dimension_numbers<[1], [0], [0], [1], [0, 0, 1, 1], [], []>, transpose_lhs_hint = false} : vector<32x64xbf16>, vector<64x1024xbf16>, vector<32x1024xf32> -> vector<32x1024xf32>
      %dot_general3A_580 = arith.constant dense<0.000000e+00> : vector<32x1024xf32>
      %dot_general3A_581 = tpu.matmul %convert_element_type3A_571, %convert_element_type3A_572, %dot_general3A_580 {dimension_numbers = #tpu.dot_dimension_numbers<[1], [0], [0], [1], [0, 0, 1, 1], [], []>, transpose_lhs_hint = false} : vector<32x64xbf16>, vector<64x1024xbf16>, vector<32x1024xf32> -> vector<32x1024xf32>
      %add3A_582 = arith.addf %dot_general3A_579, %dot_general3A_581 : vector<32x1024xf32>
      %add3A_583 = arith.addf %dot_general3A_577, %add3A_582 : vector<32x1024xf32>
      %convert_element_type3A_584 = arith.truncf %add3A_583 : vector<32x1024xf32> to vector<32x1024xbf16>
      %convert_element_type3A_585 = arith.extf %convert_element_type3A_584 : vector<32x1024xbf16> to vector<32x1024xf32>
      %sub3A_586 = arith.subf %add3A_583, %convert_element_type3A_585 : vector<32x1024xf32>
      %convert_element_type3A_587 = arith.truncf %sub3A_586 : vector<32x1024xf32> to vector<32x1024xbf16>
      %swap3A_588 = arith.constant 192 : index
      %swap3A_589 = arith.constant 0 : index
      %swap3A_590 = vector.load %arg17[%swap3A_588, %swap3A_589] : memref<512x1024xbf16, #tpu.memory_space<vmem>>, vector<32x1024xbf16>
      tpu.vector_store %arg17[%swap3A_588, %swap3A_589], %convert_element_type3A_584 {strides = array<i32>} : memref<512x1024xbf16, #tpu.memory_space<vmem>>, vector<32x1024xbf16>,
      %swap3A_591 = arith.constant 192 : index
      %swap3A_592 = arith.constant 0 : index
      %swap3A_593 = vector.load %arg18[%swap3A_591, %swap3A_592] : memref<512x1024xbf16, #tpu.memory_space<vmem>>, vector<32x1024xbf16>
      tpu.vector_store %arg18[%swap3A_591, %swap3A_592], %convert_element_type3A_587 {strides = array<i32>} : memref<512x1024xbf16, #tpu.memory_space<vmem>>, vector<32x1024xbf16>,
      %slice3A_594 = vector.extract_strided_slice %add3A_383 {offsets = [0, 448], sizes = [32, 64], strides = [1, 1]} : vector<32x1024xf32> to vector<32x64xf32>
      %get3A_595 = arith.constant 448 : index
      %get3A_596 = arith.constant 0 : index
      %get3A_597 = vector.load %arg8[%get3A_595, %get3A_596] : memref<1024x1024xf32, #tpu.memory_space<vmem>>, vector<64x1024xf32>
      %convert_element_type3A_598 = arith.truncf %slice3A_594 : vector<32x64xf32> to vector<32x64xbf16>
      %convert_element_type3A_599 = arith.extf %convert_element_type3A_598 : vector<32x64xbf16> to vector<32x64xf32>
      %sub3A_600 = arith.subf %slice3A_594, %convert_element_type3A_599 : vector<32x64xf32>
      %convert_element_type3A_601 = arith.truncf %sub3A_600 : vector<32x64xf32> to vector<32x64xbf16>
      %convert_element_type3A_602 = arith.truncf %get3A_597 : vector<64x1024xf32> to vector<64x1024xbf16>
      %convert_element_type3A_603 = arith.extf %convert_element_type3A_602 : vector<64x1024xbf16> to vector<64x1024xf32>
      %sub3A_604 = arith.subf %get3A_597, %convert_element_type3A_603 : vector<64x1024xf32>
      %convert_element_type3A_605 = arith.truncf %sub3A_604 : vector<64x1024xf32> to vector<64x1024xbf16>
      %dot_general3A_606 = arith.constant dense<0.000000e+00> : vector<32x1024xf32>
      %dot_general3A_607 = tpu.matmul %convert_element_type3A_598, %convert_element_type3A_602, %dot_general3A_606 {dimension_numbers = #tpu.dot_dimension_numbers<[1], [0], [0], [1], [0, 0, 1, 1], [], []>, transpose_lhs_hint = false} : vector<32x64xbf16>, vector<64x1024xbf16>, vector<32x1024xf32> -> vector<32x1024xf32>
      %dot_general3A_608 = arith.constant dense<0.000000e+00> : vector<32x1024xf32>
      %dot_general3A_609 = tpu.matmul %convert_element_type3A_598, %convert_element_type3A_605, %dot_general3A_608 {dimension_numbers = #tpu.dot_dimension_numbers<[1], [0], [0], [1], [0, 0, 1, 1], [], []>, transpose_lhs_hint = false} : vector<32x64xbf16>, vector<64x1024xbf16>, vector<32x1024xf32> -> vector<32x1024xf32>
      %dot_general3A_610 = arith.constant dense<0.000000e+00> : vector<32x1024xf32>
      %dot_general3A_611 = tpu.matmul %convert_element_type3A_601, %convert_element_type3A_602, %dot_general3A_610 {dimension_numbers = #tpu.dot_dimension_numbers<[1], [0], [0], [1], [0, 0, 1, 1], [], []>, transpose_lhs_hint = false} : vector<32x64xbf16>, vector<64x1024xbf16>, vector<32x1024xf32> -> vector<32x1024xf32>
      %add3A_612 = arith.addf %dot_general3A_609, %dot_general3A_611 : vector<32x1024xf32>
      %add3A_613 = arith.addf %dot_general3A_607, %add3A_612 : vector<32x1024xf32>
      %convert_element_type3A_614 = arith.truncf %add3A_613 : vector<32x1024xf32> to vector<32x1024xbf16>
      %convert_element_type3A_615 = arith.extf %convert_element_type3A_614 : vector<32x1024xbf16> to vector<32x1024xf32>
      %sub3A_616 = arith.subf %add3A_613, %convert_element_type3A_615 : vector<32x1024xf32>
      %convert_element_type3A_617 = arith.truncf %sub3A_616 : vector<32x1024xf32> to vector<32x1024xbf16>
      %swap3A_618 = arith.constant 224 : index
      %swap3A_619 = arith.constant 0 : index
      %swap3A_620 = vector.load %arg17[%swap3A_618, %swap3A_619] : memref<512x1024xbf16, #tpu.memory_space<vmem>>, vector<32x1024xbf16>
      tpu.vector_store %arg17[%swap3A_618, %swap3A_619], %convert_element_type3A_614 {strides = array<i32>} : memref<512x1024xbf16, #tpu.memory_space<vmem>>, vector<32x1024xbf16>,
      %swap3A_621 = arith.constant 224 : index
      %swap3A_622 = arith.constant 0 : index
      %swap3A_623 = vector.load %arg18[%swap3A_621, %swap3A_622] : memref<512x1024xbf16, #tpu.memory_space<vmem>>, vector<32x1024xbf16>
      tpu.vector_store %arg18[%swap3A_621, %swap3A_622], %convert_element_type3A_617 {strides = array<i32>} : memref<512x1024xbf16, #tpu.memory_space<vmem>>, vector<32x1024xbf16>,
      %slice3A_624 = vector.extract_strided_slice %add3A_383 {offsets = [0, 512], sizes = [32, 64], strides = [1, 1]} : vector<32x1024xf32> to vector<32x64xf32>
      %get3A_625 = arith.constant 512 : index
      %get3A_626 = arith.constant 0 : index
      %get3A_627 = vector.load %arg8[%get3A_625, %get3A_626] : memref<1024x1024xf32, #tpu.memory_space<vmem>>, vector<64x1024xf32>
      %convert_element_type3A_628 = arith.truncf %slice3A_624 : vector<32x64xf32> to vector<32x64xbf16>
      %convert_element_type3A_629 = arith.extf %convert_element_type3A_628 : vector<32x64xbf16> to vector<32x64xf32>
      %sub3A_630 = arith.subf %slice3A_624, %convert_element_type3A_629 : vector<32x64xf32>
      %convert_element_type3A_631 = arith.truncf %sub3A_630 : vector<32x64xf32> to vector<32x64xbf16>
      %convert_element_type3A_632 = arith.truncf %get3A_627 : vector<64x1024xf32> to vector<64x1024xbf16>
      %convert_element_type3A_633 = arith.extf %convert_element_type3A_632 : vector<64x1024xbf16> to vector<64x1024xf32>
      %sub3A_634 = arith.subf %get3A_627, %convert_element_type3A_633 : vector<64x1024xf32>
      %convert_element_type3A_635 = arith.truncf %sub3A_634 : vector<64x1024xf32> to vector<64x1024xbf16>
      %dot_general3A_636 = arith.constant dense<0.000000e+00> : vector<32x1024xf32>
      %dot_general3A_637 = tpu.matmul %convert_element_type3A_628, %convert_element_type3A_632, %dot_general3A_636 {dimension_numbers = #tpu.dot_dimension_numbers<[1], [0], [0], [1], [0, 0, 1, 1], [], []>, transpose_lhs_hint = false} : vector<32x64xbf16>, vector<64x1024xbf16>, vector<32x1024xf32> -> vector<32x1024xf32>
      %dot_general3A_638 = arith.constant dense<0.000000e+00> : vector<32x1024xf32>
      %dot_general3A_639 = tpu.matmul %convert_element_type3A_628, %convert_element_type3A_635, %dot_general3A_638 {dimension_numbers = #tpu.dot_dimension_numbers<[1], [0], [0], [1], [0, 0, 1, 1], [], []>, transpose_lhs_hint = false} : vector<32x64xbf16>, vector<64x1024xbf16>, vector<32x1024xf32> -> vector<32x1024xf32>
      %dot_general3A_640 = arith.constant dense<0.000000e+00> : vector<32x1024xf32>
      %dot_general3A_641 = tpu.matmul %convert_element_type3A_631, %convert_element_type3A_632, %dot_general3A_640 {dimension_numbers = #tpu.dot_dimension_numbers<[1], [0], [0], [1], [0, 0, 1, 1], [], []>, transpose_lhs_hint = false} : vector<32x64xbf16>, vector<64x1024xbf16>, vector<32x1024xf32> -> vector<32x1024xf32>
      %add3A_642 = arith.addf %dot_general3A_639, %dot_general3A_641 : vector<32x1024xf32>
      %add3A_643 = arith.addf %dot_general3A_637, %add3A_642 : vector<32x1024xf32>
      %convert_element_type3A_644 = arith.truncf %add3A_643 : vector<32x1024xf32> to vector<32x1024xbf16>
      %convert_element_type3A_645 = arith.extf %convert_element_type3A_644 : vector<32x1024xbf16> to vector<32x1024xf32>
      %sub3A_646 = arith.subf %add3A_643, %convert_element_type3A_645 : vector<32x1024xf32>
      %convert_element_type3A_647 = arith.truncf %sub3A_646 : vector<32x1024xf32> to vector<32x1024xbf16>
      %swap3A_648 = arith.constant 256 : index
      %swap3A_649 = arith.constant 0 : index
      %swap3A_650 = vector.load %arg17[%swap3A_648, %swap3A_649] : memref<512x1024xbf16, #tpu.memory_space<vmem>>, vector<32x1024xbf16>
      tpu.vector_store %arg17[%swap3A_648, %swap3A_649], %convert_element_type3A_644 {strides = array<i32>} : memref<512x1024xbf16, #tpu.memory_space<vmem>>, vector<32x1024xbf16>,
      %swap3A_651 = arith.constant 256 : index
      %swap3A_652 = arith.constant 0 : index
      %swap3A_653 = vector.load %arg18[%swap3A_651, %swap3A_652] : memref<512x1024xbf16, #tpu.memory_space<vmem>>, vector<32x1024xbf16>
      tpu.vector_store %arg18[%swap3A_651, %swap3A_652], %convert_element_type3A_647 {strides = array<i32>} : memref<512x1024xbf16, #tpu.memory_space<vmem>>, vector<32x1024xbf16>,
      %slice3A_654 = vector.extract_strided_slice %add3A_383 {offsets = [0, 576], sizes = [32, 64], strides = [1, 1]} : vector<32x1024xf32> to vector<32x64xf32>
      %get3A_655 = arith.constant 576 : index
      %get3A_656 = arith.constant 0 : index
      %get3A_657 = vector.load %arg8[%get3A_655, %get3A_656] : memref<1024x1024xf32, #tpu.memory_space<vmem>>, vector<64x1024xf32>
      %convert_element_type3A_658 = arith.truncf %slice3A_654 : vector<32x64xf32> to vector<32x64xbf16>
      %convert_element_type3A_659 = arith.extf %convert_element_type3A_658 : vector<32x64xbf16> to vector<32x64xf32>
      %sub3A_660 = arith.subf %slice3A_654, %convert_element_type3A_659 : vector<32x64xf32>
      %convert_element_type3A_661 = arith.truncf %sub3A_660 : vector<32x64xf32> to vector<32x64xbf16>
      %convert_element_type3A_662 = arith.truncf %get3A_657 : vector<64x1024xf32> to vector<64x1024xbf16>
      %convert_element_type3A_663 = arith.extf %convert_element_type3A_662 : vector<64x1024xbf16> to vector<64x1024xf32>
      %sub3A_664 = arith.subf %get3A_657, %convert_element_type3A_663 : vector<64x1024xf32>
      %convert_element_type3A_665 = arith.truncf %sub3A_664 : vector<64x1024xf32> to vector<64x1024xbf16>
      %dot_general3A_666 = arith.constant dense<0.000000e+00> : vector<32x1024xf32>
      %dot_general3A_667 = tpu.matmul %convert_element_type3A_658, %convert_element_type3A_662, %dot_general3A_666 {dimension_numbers = #tpu.dot_dimension_numbers<[1], [0], [0], [1], [0, 0, 1, 1], [], []>, transpose_lhs_hint = false} : vector<32x64xbf16>, vector<64x1024xbf16>, vector<32x1024xf32> -> vector<32x1024xf32>
      %dot_general3A_668 = arith.constant dense<0.000000e+00> : vector<32x1024xf32>
      %dot_general3A_669 = tpu.matmul %convert_element_type3A_658, %convert_element_type3A_665, %dot_general3A_668 {dimension_numbers = #tpu.dot_dimension_numbers<[1], [0], [0], [1], [0, 0, 1, 1], [], []>, transpose_lhs_hint = false} : vector<32x64xbf16>, vector<64x1024xbf16>, vector<32x1024xf32> -> vector<32x1024xf32>
      %dot_general3A_670 = arith.constant dense<0.000000e+00> : vector<32x1024xf32>
      %dot_general3A_671 = tpu.matmul %convert_element_type3A_661, %convert_element_type3A_662, %dot_general3A_670 {dimension_numbers = #tpu.dot_dimension_numbers<[1], [0], [0], [1], [0, 0, 1, 1], [], []>, transpose_lhs_hint = false} : vector<32x64xbf16>, vector<64x1024xbf16>, vector<32x1024xf32> -> vector<32x1024xf32>
      %add3A_672 = arith.addf %dot_general3A_669, %dot_general3A_671 : vector<32x1024xf32>
      %add3A_673 = arith.addf %dot_general3A_667, %add3A_672 : vector<32x1024xf32>
      %convert_element_type3A_674 = arith.truncf %add3A_673 : vector<32x1024xf32> to vector<32x1024xbf16>
      %convert_element_type3A_675 = arith.extf %convert_element_type3A_674 : vector<32x1024xbf16> to vector<32x1024xf32>
      %sub3A_676 = arith.subf %add3A_673, %convert_element_type3A_675 : vector<32x1024xf32>
      %convert_element_type3A_677 = arith.truncf %sub3A_676 : vector<32x1024xf32> to vector<32x1024xbf16>
      %swap3A_678 = arith.constant 288 : index
      %swap3A_679 = arith.constant 0 : index
      %swap3A_680 = vector.load %arg17[%swap3A_678, %swap3A_679] : memref<512x1024xbf16, #tpu.memory_space<vmem>>, vector<32x1024xbf16>
      tpu.vector_store %arg17[%swap3A_678, %swap3A_679], %convert_element_type3A_674 {strides = array<i32>} : memref<512x1024xbf16, #tpu.memory_space<vmem>>, vector<32x1024xbf16>,
      %swap3A_681 = arith.constant 288 : index
      %swap3A_682 = arith.constant 0 : index
      %swap3A_683 = vector.load %arg18[%swap3A_681, %swap3A_682] : memref<512x1024xbf16, #tpu.memory_space<vmem>>, vector<32x1024xbf16>
      tpu.vector_store %arg18[%swap3A_681, %swap3A_682], %convert_element_type3A_677 {strides = array<i32>} : memref<512x1024xbf16, #tpu.memory_space<vmem>>, vector<32x1024xbf16>,
      %slice3A_684 = vector.extract_strided_slice %add3A_383 {offsets = [0, 640], sizes = [32, 64], strides = [1, 1]} : vector<32x1024xf32> to vector<32x64xf32>
      %get3A_685 = arith.constant 640 : index
      %get3A_686 = arith.constant 0 : index
      %get3A_687 = vector.load %arg8[%get3A_685, %get3A_686] : memref<1024x1024xf32, #tpu.memory_space<vmem>>, vector<64x1024xf32>
      %convert_element_type3A_688 = arith.truncf %slice3A_684 : vector<32x64xf32> to vector<32x64xbf16>
      %convert_element_type3A_689 = arith.extf %convert_element_type3A_688 : vector<32x64xbf16> to vector<32x64xf32>
      %sub3A_690 = arith.subf %slice3A_684, %convert_element_type3A_689 : vector<32x64xf32>
      %convert_element_type3A_691 = arith.truncf %sub3A_690 : vector<32x64xf32> to vector<32x64xbf16>
      %convert_element_type3A_692 = arith.truncf %get3A_687 : vector<64x1024xf32> to vector<64x1024xbf16>
      %convert_element_type3A_693 = arith.extf %convert_element_type3A_692 : vector<64x1024xbf16> to vector<64x1024xf32>
      %sub3A_694 = arith.subf %get3A_687, %convert_element_type3A_693 : vector<64x1024xf32>
      %convert_element_type3A_695 = arith.truncf %sub3A_694 : vector<64x1024xf32> to vector<64x1024xbf16>
      %dot_general3A_696 = arith.constant dense<0.000000e+00> : vector<32x1024xf32>
      %dot_general3A_697 = tpu.matmul %convert_element_type3A_688, %convert_element_type3A_692, %dot_general3A_696 {dimension_numbers = #tpu.dot_dimension_numbers<[1], [0], [0], [1], [0, 0, 1, 1], [], []>, transpose_lhs_hint = false} : vector<32x64xbf16>, vector<64x1024xbf16>, vector<32x1024xf32> -> vector<32x1024xf32>
      %dot_general3A_698 = arith.constant dense<0.000000e+00> : vector<32x1024xf32>
      %dot_general3A_699 = tpu.matmul %convert_element_type3A_688, %convert_element_type3A_695, %dot_general3A_698 {dimension_numbers = #tpu.dot_dimension_numbers<[1], [0], [0], [1], [0, 0, 1, 1], [], []>, transpose_lhs_hint = false} : vector<32x64xbf16>, vector<64x1024xbf16>, vector<32x1024xf32> -> vector<32x1024xf32>
      %dot_general3A_700 = arith.constant dense<0.000000e+00> : vector<32x1024xf32>
      %dot_general3A_701 = tpu.matmul %convert_element_type3A_691, %convert_element_type3A_692, %dot_general3A_700 {dimension_numbers = #tpu.dot_dimension_numbers<[1], [0], [0], [1], [0, 0, 1, 1], [], []>, transpose_lhs_hint = false} : vector<32x64xbf16>, vector<64x1024xbf16>, vector<32x1024xf32> -> vector<32x1024xf32>
      %add3A_702 = arith.addf %dot_general3A_699, %dot_general3A_701 : vector<32x1024xf32>
      %add3A_703 = arith.addf %dot_general3A_697, %add3A_702 : vector<32x1024xf32>
      %convert_element_type3A_704 = arith.truncf %add3A_703 : vector<32x1024xf32> to vector<32x1024xbf16>
      %convert_element_type3A_705 = arith.extf %convert_element_type3A_704 : vector<32x1024xbf16> to vector<32x1024xf32>
      %sub3A_706 = arith.subf %add3A_703, %convert_element_type3A_705 : vector<32x1024xf32>
      %convert_element_type3A_707 = arith.truncf %sub3A_706 : vector<32x1024xf32> to vector<32x1024xbf16>
      %swap3A_708 = arith.constant 320 : index
      %swap3A_709 = arith.constant 0 : index
      %swap3A_710 = vector.load %arg17[%swap3A_708, %swap3A_709] : memref<512x1024xbf16, #tpu.memory_space<vmem>>, vector<32x1024xbf16>
      tpu.vector_store %arg17[%swap3A_708, %swap3A_709], %convert_element_type3A_704 {strides = array<i32>} : memref<512x1024xbf16, #tpu.memory_space<vmem>>, vector<32x1024xbf16>,
      %swap3A_711 = arith.constant 320 : index
      %swap3A_712 = arith.constant 0 : index
      %swap3A_713 = vector.load %arg18[%swap3A_711, %swap3A_712] : memref<512x1024xbf16, #tpu.memory_space<vmem>>, vector<32x1024xbf16>
      tpu.vector_store %arg18[%swap3A_711, %swap3A_712], %convert_element_type3A_707 {strides = array<i32>} : memref<512x1024xbf16, #tpu.memory_space<vmem>>, vector<32x1024xbf16>,
      %slice3A_714 = vector.extract_strided_slice %add3A_383 {offsets = [0, 704], sizes = [32, 64], strides = [1, 1]} : vector<32x1024xf32> to vector<32x64xf32>
      %get3A_715 = arith.constant 704 : index
      %get3A_716 = arith.constant 0 : index
      %get3A_717 = vector.load %arg8[%get3A_715, %get3A_716] : memref<1024x1024xf32, #tpu.memory_space<vmem>>, vector<64x1024xf32>
      %convert_element_type3A_718 = arith.truncf %slice3A_714 : vector<32x64xf32> to vector<32x64xbf16>
      %convert_element_type3A_719 = arith.extf %convert_element_type3A_718 : vector<32x64xbf16> to vector<32x64xf32>
      %sub3A_720 = arith.subf %slice3A_714, %convert_element_type3A_719 : vector<32x64xf32>
      %convert_element_type3A_721 = arith.truncf %sub3A_720 : vector<32x64xf32> to vector<32x64xbf16>
      %convert_element_type3A_722 = arith.truncf %get3A_717 : vector<64x1024xf32> to vector<64x1024xbf16>
      %convert_element_type3A_723 = arith.extf %convert_element_type3A_722 : vector<64x1024xbf16> to vector<64x1024xf32>
      %sub3A_724 = arith.subf %get3A_717, %convert_element_type3A_723 : vector<64x1024xf32>
      %convert_element_type3A_725 = arith.truncf %sub3A_724 : vector<64x1024xf32> to vector<64x1024xbf16>
      %dot_general3A_726 = arith.constant dense<0.000000e+00> : vector<32x1024xf32>
      %dot_general3A_727 = tpu.matmul %convert_element_type3A_718, %convert_element_type3A_722, %dot_general3A_726 {dimension_numbers = #tpu.dot_dimension_numbers<[1], [0], [0], [1], [0, 0, 1, 1], [], []>, transpose_lhs_hint = false} : vector<32x64xbf16>, vector<64x1024xbf16>, vector<32x1024xf32> -> vector<32x1024xf32>
      %dot_general3A_728 = arith.constant dense<0.000000e+00> : vector<32x1024xf32>
      %dot_general3A_729 = tpu.matmul %convert_element_type3A_718, %convert_element_type3A_725, %dot_general3A_728 {dimension_numbers = #tpu.dot_dimension_numbers<[1], [0], [0], [1], [0, 0, 1, 1], [], []>, transpose_lhs_hint = false} : vector<32x64xbf16>, vector<64x1024xbf16>, vector<32x1024xf32> -> vector<32x1024xf32>
      %dot_general3A_730 = arith.constant dense<0.000000e+00> : vector<32x1024xf32>
      %dot_general3A_731 = tpu.matmul %convert_element_type3A_721, %convert_element_type3A_722, %dot_general3A_730 {dimension_numbers = #tpu.dot_dimension_numbers<[1], [0], [0], [1], [0, 0, 1, 1], [], []>, transpose_lhs_hint = false} : vector<32x64xbf16>, vector<64x1024xbf16>, vector<32x1024xf32> -> vector<32x1024xf32>
      %add3A_732 = arith.addf %dot_general3A_729, %dot_general3A_731 : vector<32x1024xf32>
      %add3A_733 = arith.addf %dot_general3A_727, %add3A_732 : vector<32x1024xf32>
      %convert_element_type3A_734 = arith.truncf %add3A_733 : vector<32x1024xf32> to vector<32x1024xbf16>
      %convert_element_type3A_735 = arith.extf %convert_element_type3A_734 : vector<32x1024xbf16> to vector<32x1024xf32>
      %sub3A_736 = arith.subf %add3A_733, %convert_element_type3A_735 : vector<32x1024xf32>
      %convert_element_type3A_737 = arith.truncf %sub3A_736 : vector<32x1024xf32> to vector<32x1024xbf16>
      %swap3A_738 = arith.constant 352 : index
      %swap3A_739 = arith.constant 0 : index
      %swap3A_740 = vector.load %arg17[%swap3A_738, %swap3A_739] : memref<512x1024xbf16, #tpu.memory_space<vmem>>, vector<32x1024xbf16>
      tpu.vector_store %arg17[%swap3A_738, %swap3A_739], %convert_element_type3A_734 {strides = array<i32>} : memref<512x1024xbf16, #tpu.memory_space<vmem>>, vector<32x1024xbf16>,
      %swap3A_741 = arith.constant 352 : index
      %swap3A_742 = arith.constant 0 : index
      %swap3A_743 = vector.load %arg18[%swap3A_741, %swap3A_742] : memref<512x1024xbf16, #tpu.memory_space<vmem>>, vector<32x1024xbf16>
      tpu.vector_store %arg18[%swap3A_741, %swap3A_742], %convert_element_type3A_737 {strides = array<i32>} : memref<512x1024xbf16, #tpu.memory_space<vmem>>, vector<32x1024xbf16>,
      %slice3A_744 = vector.extract_strided_slice %add3A_383 {offsets = [0, 768], sizes = [32, 64], strides = [1, 1]} : vector<32x1024xf32> to vector<32x64xf32>
      %get3A_745 = arith.constant 768 : index
      %get3A_746 = arith.constant 0 : index
      %get3A_747 = vector.load %arg8[%get3A_745, %get3A_746] : memref<1024x1024xf32, #tpu.memory_space<vmem>>, vector<64x1024xf32>
      %convert_element_type3A_748 = arith.truncf %slice3A_744 : vector<32x64xf32> to vector<32x64xbf16>
      %convert_element_type3A_749 = arith.extf %convert_element_type3A_748 : vector<32x64xbf16> to vector<32x64xf32>
      %sub3A_750 = arith.subf %slice3A_744, %convert_element_type3A_749 : vector<32x64xf32>
      %convert_element_type3A_751 = arith.truncf %sub3A_750 : vector<32x64xf32> to vector<32x64xbf16>
      %convert_element_type3A_752 = arith.truncf %get3A_747 : vector<64x1024xf32> to vector<64x1024xbf16>
      %convert_element_type3A_753 = arith.extf %convert_element_type3A_752 : vector<64x1024xbf16> to vector<64x1024xf32>
      %sub3A_754 = arith.subf %get3A_747, %convert_element_type3A_753 : vector<64x1024xf32>
      %convert_element_type3A_755 = arith.truncf %sub3A_754 : vector<64x1024xf32> to vector<64x1024xbf16>
      %dot_general3A_756 = arith.constant dense<0.000000e+00> : vector<32x1024xf32>
      %dot_general3A_757 = tpu.matmul %convert_element_type3A_748, %convert_element_type3A_752, %dot_general3A_756 {dimension_numbers = #tpu.dot_dimension_numbers<[1], [0], [0], [1], [0, 0, 1, 1], [], []>, transpose_lhs_hint = false} : vector<32x64xbf16>, vector<64x1024xbf16>, vector<32x1024xf32> -> vector<32x1024xf32>
      %dot_general3A_758 = arith.constant dense<0.000000e+00> : vector<32x1024xf32>
      %dot_general3A_759 = tpu.matmul %convert_element_type3A_748, %convert_element_type3A_755, %dot_general3A_758 {dimension_numbers = #tpu.dot_dimension_numbers<[1], [0], [0], [1], [0, 0, 1, 1], [], []>, transpose_lhs_hint = false} : vector<32x64xbf16>, vector<64x1024xbf16>, vector<32x1024xf32> -> vector<32x1024xf32>
      %dot_general3A_760 = arith.constant dense<0.000000e+00> : vector<32x1024xf32>
      %dot_general3A_761 = tpu.matmul %convert_element_type3A_751, %convert_element_type3A_752, %dot_general3A_760 {dimension_numbers = #tpu.dot_dimension_numbers<[1], [0], [0], [1], [0, 0, 1, 1], [], []>, transpose_lhs_hint = false} : vector<32x64xbf16>, vector<64x1024xbf16>, vector<32x1024xf32> -> vector<32x1024xf32>
      %add3A_762 = arith.addf %dot_general3A_759, %dot_general3A_761 : vector<32x1024xf32>
      %add3A_763 = arith.addf %dot_general3A_757, %add3A_762 : vector<32x1024xf32>
      %convert_element_type3A_764 = arith.truncf %add3A_763 : vector<32x1024xf32> to vector<32x1024xbf16>
      %convert_element_type3A_765 = arith.extf %convert_element_type3A_764 : vector<32x1024xbf16> to vector<32x1024xf32>
      %sub3A_766 = arith.subf %add3A_763, %convert_element_type3A_765 : vector<32x1024xf32>
      %convert_element_type3A_767 = arith.truncf %sub3A_766 : vector<32x1024xf32> to vector<32x1024xbf16>
      %swap3A_768 = arith.constant 384 : index
      %swap3A_769 = arith.constant 0 : index
      %swap3A_770 = vector.load %arg17[%swap3A_768, %swap3A_769] : memref<512x1024xbf16, #tpu.memory_space<vmem>>, vector<32x1024xbf16>
      tpu.vector_store %arg17[%swap3A_768, %swap3A_769], %convert_element_type3A_764 {strides = array<i32>} : memref<512x1024xbf16, #tpu.memory_space<vmem>>, vector<32x1024xbf16>,
      %swap3A_771 = arith.constant 384 : index
      %swap3A_772 = arith.constant 0 : index
      %swap3A_773 = vector.load %arg18[%swap3A_771, %swap3A_772] : memref<512x1024xbf16, #tpu.memory_space<vmem>>, vector<32x1024xbf16>
      tpu.vector_store %arg18[%swap3A_771, %swap3A_772], %convert_element_type3A_767 {strides = array<i32>} : memref<512x1024xbf16, #tpu.memory_space<vmem>>, vector<32x1024xbf16>,
      %slice3A_774 = vector.extract_strided_slice %add3A_383 {offsets = [0, 832], sizes = [32, 64], strides = [1, 1]} : vector<32x1024xf32> to vector<32x64xf32>
      %get3A_775 = arith.constant 832 : index
      %get3A_776 = arith.constant 0 : index
      %get3A_777 = vector.load %arg8[%get3A_775, %get3A_776] : memref<1024x1024xf32, #tpu.memory_space<vmem>>, vector<64x1024xf32>
      %convert_element_type3A_778 = arith.truncf %slice3A_774 : vector<32x64xf32> to vector<32x64xbf16>
      %convert_element_type3A_779 = arith.extf %convert_element_type3A_778 : vector<32x64xbf16> to vector<32x64xf32>
      %sub3A_780 = arith.subf %slice3A_774, %convert_element_type3A_779 : vector<32x64xf32>
      %convert_element_type3A_781 = arith.truncf %sub3A_780 : vector<32x64xf32> to vector<32x64xbf16>
      %convert_element_type3A_782 = arith.truncf %get3A_777 : vector<64x1024xf32> to vector<64x1024xbf16>
      %convert_element_type3A_783 = arith.extf %convert_element_type3A_782 : vector<64x1024xbf16> to vector<64x1024xf32>
      %sub3A_784 = arith.subf %get3A_777, %convert_element_type3A_783 : vector<64x1024xf32>
      %convert_element_type3A_785 = arith.truncf %sub3A_784 : vector<64x1024xf32> to vector<64x1024xbf16>
      %dot_general3A_786 = arith.constant dense<0.000000e+00> : vector<32x1024xf32>
      %dot_general3A_787 = tpu.matmul %convert_element_type3A_778, %convert_element_type3A_782, %dot_general3A_786 {dimension_numbers = #tpu.dot_dimension_numbers<[1], [0], [0], [1], [0, 0, 1, 1], [], []>, transpose_lhs_hint = false} : vector<32x64xbf16>, vector<64x1024xbf16>, vector<32x1024xf32> -> vector<32x1024xf32>
      %dot_general3A_788 = arith.constant dense<0.000000e+00> : vector<32x1024xf32>
      %dot_general3A_789 = tpu.matmul %convert_element_type3A_778, %convert_element_type3A_785, %dot_general3A_788 {dimension_numbers = #tpu.dot_dimension_numbers<[1], [0], [0], [1], [0, 0, 1, 1], [], []>, transpose_lhs_hint = false} : vector<32x64xbf16>, vector<64x1024xbf16>, vector<32x1024xf32> -> vector<32x1024xf32>
      %dot_general3A_790 = arith.constant dense<0.000000e+00> : vector<32x1024xf32>
      %dot_general3A_791 = tpu.matmul %convert_element_type3A_781, %convert_element_type3A_782, %dot_general3A_790 {dimension_numbers = #tpu.dot_dimension_numbers<[1], [0], [0], [1], [0, 0, 1, 1], [], []>, transpose_lhs_hint = false} : vector<32x64xbf16>, vector<64x1024xbf16>, vector<32x1024xf32> -> vector<32x1024xf32>
      %add3A_792 = arith.addf %dot_general3A_789, %dot_general3A_791 : vector<32x1024xf32>
      %add3A_793 = arith.addf %dot_general3A_787, %add3A_792 : vector<32x1024xf32>
      %convert_element_type3A_794 = arith.truncf %add3A_793 : vector<32x1024xf32> to vector<32x1024xbf16>
      %convert_element_type3A_795 = arith.extf %convert_element_type3A_794 : vector<32x1024xbf16> to vector<32x1024xf32>
      %sub3A_796 = arith.subf %add3A_793, %convert_element_type3A_795 : vector<32x1024xf32>
      %convert_element_type3A_797 = arith.truncf %sub3A_796 : vector<32x1024xf32> to vector<32x1024xbf16>
      %swap3A_798 = arith.constant 416 : index
      %swap3A_799 = arith.constant 0 : index
      %swap3A_800 = vector.load %arg17[%swap3A_798, %swap3A_799] : memref<512x1024xbf16, #tpu.memory_space<vmem>>, vector<32x1024xbf16>
      tpu.vector_store %arg17[%swap3A_798, %swap3A_799], %convert_element_type3A_794 {strides = array<i32>} : memref<512x1024xbf16, #tpu.memory_space<vmem>>, vector<32x1024xbf16>,
      %swap3A_801 = arith.constant 416 : index
      %swap3A_802 = arith.constant 0 : index
      %swap3A_803 = vector.load %arg18[%swap3A_801, %swap3A_802] : memref<512x1024xbf16, #tpu.memory_space<vmem>>, vector<32x1024xbf16>
      tpu.vector_store %arg18[%swap3A_801, %swap3A_802], %convert_element_type3A_797 {strides = array<i32>} : memref<512x1024xbf16, #tpu.memory_space<vmem>>, vector<32x1024xbf16>,
      %slice3A_804 = vector.extract_strided_slice %add3A_383 {offsets = [0, 896], sizes = [32, 64], strides = [1, 1]} : vector<32x1024xf32> to vector<32x64xf32>
      %get3A_805 = arith.constant 896 : index
      %get3A_806 = arith.constant 0 : index
      %get3A_807 = vector.load %arg8[%get3A_805, %get3A_806] : memref<1024x1024xf32, #tpu.memory_space<vmem>>, vector<64x1024xf32>
      %convert_element_type3A_808 = arith.truncf %slice3A_804 : vector<32x64xf32> to vector<32x64xbf16>
      %convert_element_type3A_809 = arith.extf %convert_element_type3A_808 : vector<32x64xbf16> to vector<32x64xf32>
      %sub3A_810 = arith.subf %slice3A_804, %convert_element_type3A_809 : vector<32x64xf32>
      %convert_element_type3A_811 = arith.truncf %sub3A_810 : vector<32x64xf32> to vector<32x64xbf16>
      %convert_element_type3A_812 = arith.truncf %get3A_807 : vector<64x1024xf32> to vector<64x1024xbf16>
      %convert_element_type3A_813 = arith.extf %convert_element_type3A_812 : vector<64x1024xbf16> to vector<64x1024xf32>
      %sub3A_814 = arith.subf %get3A_807, %convert_element_type3A_813 : vector<64x1024xf32>
      %convert_element_type3A_815 = arith.truncf %sub3A_814 : vector<64x1024xf32> to vector<64x1024xbf16>
      %dot_general3A_816 = arith.constant dense<0.000000e+00> : vector<32x1024xf32>
      %dot_general3A_817 = tpu.matmul %convert_element_type3A_808, %convert_element_type3A_812, %dot_general3A_816 {dimension_numbers = #tpu.dot_dimension_numbers<[1], [0], [0], [1], [0, 0, 1, 1], [], []>, transpose_lhs_hint = false} : vector<32x64xbf16>, vector<64x1024xbf16>, vector<32x1024xf32> -> vector<32x1024xf32>
      %dot_general3A_818 = arith.constant dense<0.000000e+00> : vector<32x1024xf32>
      %dot_general3A_819 = tpu.matmul %convert_element_type3A_808, %convert_element_type3A_815, %dot_general3A_818 {dimension_numbers = #tpu.dot_dimension_numbers<[1], [0], [0], [1], [0, 0, 1, 1], [], []>, transpose_lhs_hint = false} : vector<32x64xbf16>, vector<64x1024xbf16>, vector<32x1024xf32> -> vector<32x1024xf32>
      %dot_general3A_820 = arith.constant dense<0.000000e+00> : vector<32x1024xf32>
      %dot_general3A_821 = tpu.matmul %convert_element_type3A_811, %convert_element_type3A_812, %dot_general3A_820 {dimension_numbers = #tpu.dot_dimension_numbers<[1], [0], [0], [1], [0, 0, 1, 1], [], []>, transpose_lhs_hint = false} : vector<32x64xbf16>, vector<64x1024xbf16>, vector<32x1024xf32> -> vector<32x1024xf32>
      %add3A_822 = arith.addf %dot_general3A_819, %dot_general3A_821 : vector<32x1024xf32>
      %add3A_823 = arith.addf %dot_general3A_817, %add3A_822 : vector<32x1024xf32>
      %convert_element_type3A_824 = arith.truncf %add3A_823 : vector<32x1024xf32> to vector<32x1024xbf16>
      %convert_element_type3A_825 = arith.extf %convert_element_type3A_824 : vector<32x1024xbf16> to vector<32x1024xf32>
      %sub3A_826 = arith.subf %add3A_823, %convert_element_type3A_825 : vector<32x1024xf32>
      %convert_element_type3A_827 = arith.truncf %sub3A_826 : vector<32x1024xf32> to vector<32x1024xbf16>
      %swap3A_828 = arith.constant 448 : index
      %swap3A_829 = arith.constant 0 : index
      %swap3A_830 = vector.load %arg17[%swap3A_828, %swap3A_829] : memref<512x1024xbf16, #tpu.memory_space<vmem>>, vector<32x1024xbf16>
      tpu.vector_store %arg17[%swap3A_828, %swap3A_829], %convert_element_type3A_824 {strides = array<i32>} : memref<512x1024xbf16, #tpu.memory_space<vmem>>, vector<32x1024xbf16>,
      %swap3A_831 = arith.constant 448 : index
      %swap3A_832 = arith.constant 0 : index
      %swap3A_833 = vector.load %arg18[%swap3A_831, %swap3A_832] : memref<512x1024xbf16, #tpu.memory_space<vmem>>, vector<32x1024xbf16>
      tpu.vector_store %arg18[%swap3A_831, %swap3A_832], %convert_element_type3A_827 {strides = array<i32>} : memref<512x1024xbf16, #tpu.memory_space<vmem>>, vector<32x1024xbf16>,
      %slice3A_834 = vector.extract_strided_slice %add3A_383 {offsets = [0, 960], sizes = [32, 64], strides = [1, 1]} : vector<32x1024xf32> to vector<32x64xf32>
      %get3A_835 = arith.constant 960 : index
      %get3A_836 = arith.constant 0 : index
      %get3A_837 = vector.load %arg8[%get3A_835, %get3A_836] : memref<1024x1024xf32, #tpu.memory_space<vmem>>, vector<64x1024xf32>
      %convert_element_type3A_838 = arith.truncf %slice3A_834 : vector<32x64xf32> to vector<32x64xbf16>
      %convert_element_type3A_839 = arith.extf %convert_element_type3A_838 : vector<32x64xbf16> to vector<32x64xf32>
      %sub3A_840 = arith.subf %slice3A_834, %convert_element_type3A_839 : vector<32x64xf32>
      %convert_element_type3A_841 = arith.truncf %sub3A_840 : vector<32x64xf32> to vector<32x64xbf16>
      %convert_element_type3A_842 = arith.truncf %get3A_837 : vector<64x1024xf32> to vector<64x1024xbf16>
      %convert_element_type3A_843 = arith.extf %convert_element_type3A_842 : vector<64x1024xbf16> to vector<64x1024xf32>
      %sub3A_844 = arith.subf %get3A_837, %convert_element_type3A_843 : vector<64x1024xf32>
      %convert_element_type3A_845 = arith.truncf %sub3A_844 : vector<64x1024xf32> to vector<64x1024xbf16>
      %dot_general3A_846 = arith.constant dense<0.000000e+00> : vector<32x1024xf32>
      %dot_general3A_847 = tpu.matmul %convert_element_type3A_838, %convert_element_type3A_842, %dot_general3A_846 {dimension_numbers = #tpu.dot_dimension_numbers<[1], [0], [0], [1], [0, 0, 1, 1], [], []>, transpose_lhs_hint = false} : vector<32x64xbf16>, vector<64x1024xbf16>, vector<32x1024xf32> -> vector<32x1024xf32>
      %dot_general3A_848 = arith.constant dense<0.000000e+00> : vector<32x1024xf32>
      %dot_general3A_849 = tpu.matmul %convert_element_type3A_838, %convert_element_type3A_845, %dot_general3A_848 {dimension_numbers = #tpu.dot_dimension_numbers<[1], [0], [0], [1], [0, 0, 1, 1], [], []>, transpose_lhs_hint = false} : vector<32x64xbf16>, vector<64x1024xbf16>, vector<32x1024xf32> -> vector<32x1024xf32>
      %dot_general3A_850 = arith.constant dense<0.000000e+00> : vector<32x1024xf32>
      %dot_general3A_851 = tpu.matmul %convert_element_type3A_841, %convert_element_type3A_842, %dot_general3A_850 {dimension_numbers = #tpu.dot_dimension_numbers<[1], [0], [0], [1], [0, 0, 1, 1], [], []>, transpose_lhs_hint = false} : vector<32x64xbf16>, vector<64x1024xbf16>, vector<32x1024xf32> -> vector<32x1024xf32>
      %add3A_852 = arith.addf %dot_general3A_849, %dot_general3A_851 : vector<32x1024xf32>
      %add3A_853 = arith.addf %dot_general3A_847, %add3A_852 : vector<32x1024xf32>
      %convert_element_type3A_854 = arith.truncf %add3A_853 : vector<32x1024xf32> to vector<32x1024xbf16>
      %convert_element_type3A_855 = arith.extf %convert_element_type3A_854 : vector<32x1024xbf16> to vector<32x1024xf32>
      %sub3A_856 = arith.subf %add3A_853, %convert_element_type3A_855 : vector<32x1024xf32>
      %convert_element_type3A_857 = arith.truncf %sub3A_856 : vector<32x1024xf32> to vector<32x1024xbf16>
      %swap3A_858 = arith.constant 480 : index
      %swap3A_859 = arith.constant 0 : index
      %swap3A_860 = vector.load %arg17[%swap3A_858, %swap3A_859] : memref<512x1024xbf16, #tpu.memory_space<vmem>>, vector<32x1024xbf16>
      tpu.vector_store %arg17[%swap3A_858, %swap3A_859], %convert_element_type3A_854 {strides = array<i32>} : memref<512x1024xbf16, #tpu.memory_space<vmem>>, vector<32x1024xbf16>,
      %swap3A_861 = arith.constant 480 : index
      %swap3A_862 = arith.constant 0 : index
      %swap3A_863 = vector.load %arg18[%swap3A_861, %swap3A_862] : memref<512x1024xbf16, #tpu.memory_space<vmem>>, vector<32x1024xbf16>
      tpu.vector_store %arg18[%swap3A_861, %swap3A_862], %convert_element_type3A_857 {strides = array<i32>} : memref<512x1024xbf16, #tpu.memory_space<vmem>>, vector<32x1024xbf16>,
    } else {
    }
    %get3A = arith.constant 0 : index
    %get3A_2 = arith.constant 0 : index
    %get3A_3 = arith.constant 0 : index
    %get3A_4 = vector.load %arg1[%get3A, %get3A_2, %get3A_3] : memref<1x2048x1024xf32, #tpu.memory_space<vmem>>, vector<1x2048x1024xf32>
    %get3A_5 = vector.shape_cast %get3A_4 : vector<1x2048x1024xf32> to vector<2048x1024xf32>
    %get3A_6 = arith.constant 0 : index
    %get3A_7 = arith.constant 0 : index
    %get3A_8 = vector.load %arg5[%get3A_6, %get3A_7] : memref<1x1024xf32, #tpu.memory_space<vmem>>, vector<1x1024xf32>
    %get3A_9 = arith.constant 0 : index
    %get3A_10 = arith.constant 0 : index
    %get3A_11 = vector.load %arg6[%get3A_9, %get3A_10] : memref<1x1024xf32, #tpu.memory_space<vmem>>, vector<1x1024xf32>
    %reduce_sum3A = arith.constant dense<0.000000e+00> : vector<2048xf32>
    %reduce_sum3A_12 = vector.multi_reduction <add>, %get3A_5, %reduce_sum3A [1] : vector<2048x1024xf32> to vector<2048xf32>
    %broadcast_in_dim3A = vector.shape_cast %reduce_sum3A_12 : vector<2048xf32> to vector<2048x1xf32>
    %div3A = arith.constant 1.024000e+03 : f32
    %div3A_13 = vector.broadcast %div3A : f32 to vector<2048x1xf32>
    %div3A_14 = arith.divf %broadcast_in_dim3A, %div3A_13 : vector<2048x1xf32>
    %sub3A = vector.broadcast %div3A_14 : vector<2048x1xf32> to vector<2048x1024xf32>
    %sub3A_15 = arith.subf %get3A_5, %sub3A : vector<2048x1024xf32>
    %integer_pow3A = arith.mulf %sub3A_15, %sub3A_15 : vector<2048x1024xf32>
    %reduce_sum3A_16 = arith.constant dense<0.000000e+00> : vector<2048xf32>
    %reduce_sum3A_17 = vector.multi_reduction <add>, %integer_pow3A, %reduce_sum3A_16 [1] : vector<2048x1024xf32> to vector<2048xf32>
    %broadcast_in_dim3A_18 = vector.shape_cast %reduce_sum3A_17 : vector<2048xf32> to vector<2048x1xf32>
    %div3A_19 = arith.constant 1.024000e+03 : f32
    %div3A_20 = vector.broadcast %div3A_19 : f32 to vector<2048x1xf32>
    %div3A_21 = arith.divf %broadcast_in_dim3A_18, %div3A_20 : vector<2048x1xf32>
    %sub3A_22 = vector.broadcast %div3A_14 : vector<2048x1xf32> to vector<2048x1024xf32>
    %sub3A_23 = arith.subf %get3A_5, %sub3A_22 : vector<2048x1024xf32>
    %add3A = arith.constant 9.99999974E-6 : f32
    %add3A_24 = vector.broadcast %add3A : f32 to vector<2048x1xf32>
    %add3A_25 = arith.addf %div3A_21, %add3A_24 : vector<2048x1xf32>
    %sqrt3A = math.sqrt %add3A_25 : vector<2048x1xf32>
    %div3A_26 = vector.broadcast %sqrt3A : vector<2048x1xf32> to vector<2048x1024xf32>
    %div3A_27 = arith.divf %sub3A_23, %div3A_26 : vector<2048x1024xf32>
    %mul3A = vector.broadcast %get3A_8 : vector<1x1024xf32> to vector<2048x1024xf32>
    %mul3A_28 = arith.mulf %div3A_27, %mul3A : vector<2048x1024xf32>
    %add3A_29 = vector.broadcast %get3A_11 : vector<1x1024xf32> to vector<2048x1024xf32>
    %add3A_30 = arith.addf %mul3A_28, %add3A_29 : vector<2048x1024xf32>
    %convert_element_type3A_31 = arith.truncf %add3A_30 : vector<2048x1024xf32> to vector<2048x1024xbf16>
    %convert_element_type3A_32 = arith.extf %convert_element_type3A_31 : vector<2048x1024xbf16> to vector<2048x1024xf32>
    %sub3A_33 = arith.subf %add3A_30, %convert_element_type3A_32 : vector<2048x1024xf32>
    %convert_element_type3A_34 = arith.truncf %sub3A_33 : vector<2048x1024xf32> to vector<2048x1024xbf16>
    %swap3A = arith.constant 0 : index
    %swap3A_35 = arith.constant 0 : index
    %swap3A_36 = vector.load %arg15[%swap3A, %swap3A_35] : memref<2048x1024xbf16, #tpu.memory_space<vmem>>, vector<2048x1024xbf16>
    tpu.vector_store %arg15[%swap3A, %swap3A_35], %convert_element_type3A_31 {strides = array<i32>} : memref<2048x1024xbf16, #tpu.memory_space<vmem>>, vector<2048x1024xbf16>,
    %swap3A_37 = arith.constant 0 : index
    %swap3A_38 = arith.constant 0 : index
    %swap3A_39 = vector.load %arg16[%swap3A_37, %swap3A_38] : memref<2048x1024xbf16, #tpu.memory_space<vmem>>, vector<2048x1024xbf16>
    tpu.vector_store %arg16[%swap3A_37, %swap3A_38], %convert_element_type3A_34 {strides = array<i32>} : memref<2048x1024xbf16, #tpu.memory_space<vmem>>, vector<2048x1024xbf16>,
    %get3A_40 = arith.constant 0 : index
    %get3A_41 = arith.constant 0 : index
    %get3A_42 = vector.load %arg15[%get3A_40, %get3A_41] : memref<2048x1024xbf16, #tpu.memory_space<vmem>>, vector<2048x1024xbf16>
    %get3A_43 = arith.constant 0 : index
    %get3A_44 = arith.constant 0 : index
    %get3A_45 = vector.load %arg16[%get3A_43, %get3A_44] : memref<2048x1024xbf16, #tpu.memory_space<vmem>>, vector<2048x1024xbf16>
    %get3A_46 = arith.constant 0 : index
    %get3A_47 = arith.constant 0 : index
    %get3A_48 = vector.load %arg17[%get3A_46, %get3A_47] : memref<512x1024xbf16, #tpu.memory_space<vmem>>, vector<512x1024xbf16>
    %get3A_49 = arith.constant 0 : index
    %get3A_50 = arith.constant 0 : index
    %get3A_51 = vector.load %arg18[%get3A_49, %get3A_50] : memref<512x1024xbf16, #tpu.memory_space<vmem>>, vector<512x1024xbf16>
    %dot_general3A = arith.constant dense<0.000000e+00> : vector<512x2048xf32>
    %dot_general3A_52 = tpu.matmul %get3A_48, %get3A_42, %dot_general3A {dimension_numbers = #tpu.dot_dimension_numbers<[1], [1], [0], [0], [0, 0, 1, 0], [], []>, transpose_lhs_hint = false} : vector<512x1024xbf16>, vector<2048x1024xbf16>, vector<512x2048xf32> -> vector<512x2048xf32>
    %dot_general3A_53 = arith.constant dense<0.000000e+00> : vector<512x2048xf32>
    %dot_general3A_54 = tpu.matmul %get3A_48, %get3A_45, %dot_general3A_53 {dimension_numbers = #tpu.dot_dimension_numbers<[1], [1], [0], [0], [0, 0, 1, 0], [], []>, transpose_lhs_hint = false} : vector<512x1024xbf16>, vector<2048x1024xbf16>, vector<512x2048xf32> -> vector<512x2048xf32>
    %dot_general3A_55 = arith.constant dense<0.000000e+00> : vector<512x2048xf32>
    %dot_general3A_56 = tpu.matmul %get3A_51, %get3A_42, %dot_general3A_55 {dimension_numbers = #tpu.dot_dimension_numbers<[1], [1], [0], [0], [0, 0, 1, 0], [], []>, transpose_lhs_hint = false} : vector<512x1024xbf16>, vector<2048x1024xbf16>, vector<512x2048xf32> -> vector<512x2048xf32>
    %add3A_57 = arith.addf %dot_general3A_54, %dot_general3A_56 : vector<512x2048xf32>
    %add3A_58 = arith.addf %dot_general3A_52, %add3A_57 : vector<512x2048xf32>
    %mul3A_59 = arith.constant 1.250000e-01 : f32
    %mul3A_60 = vector.broadcast %mul3A_59 : f32 to vector<512x2048xf32>
    %mul3A_61 = arith.mulf %add3A_58, %mul3A_60 : vector<512x2048xf32>
    %reduce_max3A = arith.constant dense<0xFF800000> : vector<512xf32>
    %reduce_max3A_62 = vector.multi_reduction <maximumf>, %mul3A_61, %reduce_max3A [1] : vector<512x2048xf32> to vector<512xf32>
    %broadcast_in_dim3A_63 = vector.shape_cast %reduce_max3A_62 : vector<512xf32> to vector<512x1xf32>
    %sub3A_64 = vector.broadcast %broadcast_in_dim3A_63 : vector<512x1xf32> to vector<512x2048xf32>
    %sub3A_65 = arith.subf %mul3A_61, %sub3A_64 : vector<512x2048xf32>
    %exp3A = math.exp %sub3A_65 : vector<512x2048xf32>
    %reduce_sum3A_66 = arith.constant dense<0.000000e+00> : vector<512xf32>
    %reduce_sum3A_67 = vector.multi_reduction <add>, %exp3A, %reduce_sum3A_66 [1] : vector<512x2048xf32> to vector<512xf32>
    %broadcast_in_dim3A_68 = vector.shape_cast %reduce_sum3A_67 : vector<512xf32> to vector<512x1xf32>
    %div3A_69 = vector.broadcast %broadcast_in_dim3A_68 : vector<512x1xf32> to vector<512x2048xf32>
    %div3A_70 = arith.divf %exp3A, %div3A_69 : vector<512x2048xf32>
    %convert_element_type3A_71 = arith.truncf %div3A_70 : vector<512x2048xf32> to vector<512x2048xbf16>
    %convert_element_type3A_72 = arith.extf %convert_element_type3A_71 : vector<512x2048xbf16> to vector<512x2048xf32>
    %sub3A_73 = arith.subf %div3A_70, %convert_element_type3A_72 : vector<512x2048xf32>
    %convert_element_type3A_74 = arith.truncf %sub3A_73 : vector<512x2048xf32> to vector<512x2048xbf16>
    %dot_general3A_75 = arith.constant dense<0.000000e+00> : vector<512x1024xf32>
    %dot_general3A_76 = tpu.matmul %convert_element_type3A_71, %get3A_42, %dot_general3A_75 {dimension_numbers = #tpu.dot_dimension_numbers<[1], [0], [0], [1], [0, 0, 1, 1], [], []>, transpose_lhs_hint = false} : vector<512x2048xbf16>, vector<2048x1024xbf16>, vector<512x1024xf32> -> vector<512x1024xf32>
    %dot_general3A_77 = arith.constant dense<0.000000e+00> : vector<512x1024xf32>
    %dot_general3A_78 = tpu.matmul %convert_element_type3A_71, %get3A_45, %dot_general3A_77 {dimension_numbers = #tpu.dot_dimension_numbers<[1], [0], [0], [1], [0, 0, 1, 1], [], []>, transpose_lhs_hint = false} : vector<512x2048xbf16>, vector<2048x1024xbf16>, vector<512x1024xf32> -> vector<512x1024xf32>
    %dot_general3A_79 = arith.constant dense<0.000000e+00> : vector<512x1024xf32>
    %dot_general3A_80 = tpu.matmul %convert_element_type3A_74, %get3A_42, %dot_general3A_79 {dimension_numbers = #tpu.dot_dimension_numbers<[1], [0], [0], [1], [0, 0, 1, 1], [], []>, transpose_lhs_hint = false} : vector<512x2048xbf16>, vector<2048x1024xbf16>, vector<512x1024xf32> -> vector<512x1024xf32>
    %add3A_81 = arith.addf %dot_general3A_78, %dot_general3A_80 : vector<512x1024xf32>
    %add3A_82 = arith.addf %dot_general3A_76, %add3A_81 : vector<512x1024xf32>
    %convert_element_type3A_83 = arith.truncf %add3A_82 : vector<512x1024xf32> to vector<512x1024xbf16>
    %convert_element_type3A_84 = arith.extf %convert_element_type3A_83 : vector<512x1024xbf16> to vector<512x1024xf32>
    %sub3A_85 = arith.subf %add3A_82, %convert_element_type3A_84 : vector<512x1024xf32>
    %convert_element_type3A_86 = arith.truncf %sub3A_85 : vector<512x1024xf32> to vector<512x1024xbf16>
    %get3A_87 = arith.constant 0 : index
    %get3A_88 = arith.constant 0 : index
    %get3A_89 = vector.load %arg9[%get3A_87, %get3A_88] : memref<1024x1024xf32, #tpu.memory_space<vmem>>, vector<1024x1024xf32>
    %convert_element_type3A_90 = arith.truncf %get3A_89 : vector<1024x1024xf32> to vector<1024x1024xbf16>
    %convert_element_type3A_91 = arith.extf %convert_element_type3A_90 : vector<1024x1024xbf16> to vector<1024x1024xf32>
    %sub3A_92 = arith.subf %get3A_89, %convert_element_type3A_91 : vector<1024x1024xf32>
    %convert_element_type3A_93 = arith.truncf %sub3A_92 : vector<1024x1024xf32> to vector<1024x1024xbf16>
    %slice3A = vector.extract_strided_slice %convert_element_type3A_83 {offsets = [0, 0], sizes = [32, 1024], strides = [1, 1]} : vector<512x1024xbf16> to vector<32x1024xbf16>
    %slice3A_94 = vector.extract_strided_slice %convert_element_type3A_86 {offsets = [0, 0], sizes = [32, 1024], strides = [1, 1]} : vector<512x1024xbf16> to vector<32x1024xbf16>
    %slice3A_95 = vector.extract_strided_slice %convert_element_type3A_90 {offsets = [0, 0], sizes = [64, 1024], strides = [1, 1]} : vector<1024x1024xbf16> to vector<64x1024xbf16>
    %slice3A_96 = vector.extract_strided_slice %convert_element_type3A_93 {offsets = [0, 0], sizes = [64, 1024], strides = [1, 1]} : vector<1024x1024xbf16> to vector<64x1024xbf16>
    %dot_general3A_97 = arith.constant dense<0.000000e+00> : vector<32x64xf32>
    %dot_general3A_98 = tpu.matmul %slice3A, %slice3A_95, %dot_general3A_97 {dimension_numbers = #tpu.dot_dimension_numbers<[1], [1], [0], [0], [0, 0, 1, 0], [], []>, transpose_lhs_hint = false} : vector<32x1024xbf16>, vector<64x1024xbf16>, vector<32x64xf32> -> vector<32x64xf32>
    %dot_general3A_99 = arith.constant dense<0.000000e+00> : vector<32x64xf32>
    %dot_general3A_100 = tpu.matmul %slice3A, %slice3A_96, %dot_general3A_99 {dimension_numbers = #tpu.dot_dimension_numbers<[1], [1], [0], [0], [0, 0, 1, 0], [], []>, transpose_lhs_hint = false} : vector<32x1024xbf16>, vector<64x1024xbf16>, vector<32x64xf32> -> vector<32x64xf32>
    %dot_general3A_101 = arith.constant dense<0.000000e+00> : vector<32x64xf32>
    %dot_general3A_102 = tpu.matmul %slice3A_94, %slice3A_95, %dot_general3A_101 {dimension_numbers = #tpu.dot_dimension_numbers<[1], [1], [0], [0], [0, 0, 1, 0], [], []>, transpose_lhs_hint = false} : vector<32x1024xbf16>, vector<64x1024xbf16>, vector<32x64xf32> -> vector<32x64xf32>
    %add3A_103 = arith.addf %dot_general3A_100, %dot_general3A_102 : vector<32x64xf32>
    %add3A_104 = arith.addf %dot_general3A_98, %add3A_103 : vector<32x64xf32>
    %slice3A_105 = vector.extract_strided_slice %convert_element_type3A_83 {offsets = [32, 0], sizes = [32, 1024], strides = [1, 1]} : vector<512x1024xbf16> to vector<32x1024xbf16>
    %slice3A_106 = vector.extract_strided_slice %convert_element_type3A_86 {offsets = [32, 0], sizes = [32, 1024], strides = [1, 1]} : vector<512x1024xbf16> to vector<32x1024xbf16>
    %slice3A_107 = vector.extract_strided_slice %convert_element_type3A_90 {offsets = [64, 0], sizes = [64, 1024], strides = [1, 1]} : vector<1024x1024xbf16> to vector<64x1024xbf16>
    %slice3A_108 = vector.extract_strided_slice %convert_element_type3A_93 {offsets = [64, 0], sizes = [64, 1024], strides = [1, 1]} : vector<1024x1024xbf16> to vector<64x1024xbf16>
    %dot_general3A_109 = arith.constant dense<0.000000e+00> : vector<32x64xf32>
    %dot_general3A_110 = tpu.matmul %slice3A_105, %slice3A_107, %dot_general3A_109 {dimension_numbers = #tpu.dot_dimension_numbers<[1], [1], [0], [0], [0, 0, 1, 0], [], []>, transpose_lhs_hint = false} : vector<32x1024xbf16>, vector<64x1024xbf16>, vector<32x64xf32> -> vector<32x64xf32>
    %dot_general3A_111 = arith.constant dense<0.000000e+00> : vector<32x64xf32>
    %dot_general3A_112 = tpu.matmul %slice3A_105, %slice3A_108, %dot_general3A_111 {dimension_numbers = #tpu.dot_dimension_numbers<[1], [1], [0], [0], [0, 0, 1, 0], [], []>, transpose_lhs_hint = false} : vector<32x1024xbf16>, vector<64x1024xbf16>, vector<32x64xf32> -> vector<32x64xf32>
    %dot_general3A_113 = arith.constant dense<0.000000e+00> : vector<32x64xf32>
    %dot_general3A_114 = tpu.matmul %slice3A_106, %slice3A_107, %dot_general3A_113 {dimension_numbers = #tpu.dot_dimension_numbers<[1], [1], [0], [0], [0, 0, 1, 0], [], []>, transpose_lhs_hint = false} : vector<32x1024xbf16>, vector<64x1024xbf16>, vector<32x64xf32> -> vector<32x64xf32>
    %add3A_115 = arith.addf %dot_general3A_112, %dot_general3A_114 : vector<32x64xf32>
    %add3A_116 = arith.addf %dot_general3A_110, %add3A_115 : vector<32x64xf32>
    %slice3A_117 = vector.extract_strided_slice %convert_element_type3A_83 {offsets = [64, 0], sizes = [32, 1024], strides = [1, 1]} : vector<512x1024xbf16> to vector<32x1024xbf16>
    %slice3A_118 = vector.extract_strided_slice %convert_element_type3A_86 {offsets = [64, 0], sizes = [32, 1024], strides = [1, 1]} : vector<512x1024xbf16> to vector<32x1024xbf16>
    %slice3A_119 = vector.extract_strided_slice %convert_element_type3A_90 {offsets = [128, 0], sizes = [64, 1024], strides = [1, 1]} : vector<1024x1024xbf16> to vector<64x1024xbf16>
    %slice3A_120 = vector.extract_strided_slice %convert_element_type3A_93 {offsets = [128, 0], sizes = [64, 1024], strides = [1, 1]} : vector<1024x1024xbf16> to vector<64x1024xbf16>
    %dot_general3A_121 = arith.constant dense<0.000000e+00> : vector<32x64xf32>
    %dot_general3A_122 = tpu.matmul %slice3A_117, %slice3A_119, %dot_general3A_121 {dimension_numbers = #tpu.dot_dimension_numbers<[1], [1], [0], [0], [0, 0, 1, 0], [], []>, transpose_lhs_hint = false} : vector<32x1024xbf16>, vector<64x1024xbf16>, vector<32x64xf32> -> vector<32x64xf32>
    %dot_general3A_123 = arith.constant dense<0.000000e+00> : vector<32x64xf32>
    %dot_general3A_124 = tpu.matmul %slice3A_117, %slice3A_120, %dot_general3A_123 {dimension_numbers = #tpu.dot_dimension_numbers<[1], [1], [0], [0], [0, 0, 1, 0], [], []>, transpose_lhs_hint = false} : vector<32x1024xbf16>, vector<64x1024xbf16>, vector<32x64xf32> -> vector<32x64xf32>
    %dot_general3A_125 = arith.constant dense<0.000000e+00> : vector<32x64xf32>
    %dot_general3A_126 = tpu.matmul %slice3A_118, %slice3A_119, %dot_general3A_125 {dimension_numbers = #tpu.dot_dimension_numbers<[1], [1], [0], [0], [0, 0, 1, 0], [], []>, transpose_lhs_hint = false} : vector<32x1024xbf16>, vector<64x1024xbf16>, vector<32x64xf32> -> vector<32x64xf32>
    %add3A_127 = arith.addf %dot_general3A_124, %dot_general3A_126 : vector<32x64xf32>
    %add3A_128 = arith.addf %dot_general3A_122, %add3A_127 : vector<32x64xf32>
    %slice3A_129 = vector.extract_strided_slice %convert_element_type3A_83 {offsets = [96, 0], sizes = [32, 1024], strides = [1, 1]} : vector<512x1024xbf16> to vector<32x1024xbf16>
    %slice3A_130 = vector.extract_strided_slice %convert_element_type3A_86 {offsets = [96, 0], sizes = [32, 1024], strides = [1, 1]} : vector<512x1024xbf16> to vector<32x1024xbf16>
    %slice3A_131 = vector.extract_strided_slice %convert_element_type3A_90 {offsets = [192, 0], sizes = [64, 1024], strides = [1, 1]} : vector<1024x1024xbf16> to vector<64x1024xbf16>
    %slice3A_132 = vector.extract_strided_slice %convert_element_type3A_93 {offsets = [192, 0], sizes = [64, 1024], strides = [1, 1]} : vector<1024x1024xbf16> to vector<64x1024xbf16>
    %dot_general3A_133 = arith.constant dense<0.000000e+00> : vector<32x64xf32>
    %dot_general3A_134 = tpu.matmul %slice3A_129, %slice3A_131, %dot_general3A_133 {dimension_numbers = #tpu.dot_dimension_numbers<[1], [1], [0], [0], [0, 0, 1, 0], [], []>, transpose_lhs_hint = false} : vector<32x1024xbf16>, vector<64x1024xbf16>, vector<32x64xf32> -> vector<32x64xf32>
    %dot_general3A_135 = arith.constant dense<0.000000e+00> : vector<32x64xf32>
    %dot_general3A_136 = tpu.matmul %slice3A_129, %slice3A_132, %dot_general3A_135 {dimension_numbers = #tpu.dot_dimension_numbers<[1], [1], [0], [0], [0, 0, 1, 0], [], []>, transpose_lhs_hint = false} : vector<32x1024xbf16>, vector<64x1024xbf16>, vector<32x64xf32> -> vector<32x64xf32>
    %dot_general3A_137 = arith.constant dense<0.000000e+00> : vector<32x64xf32>
    %dot_general3A_138 = tpu.matmul %slice3A_130, %slice3A_131, %dot_general3A_137 {dimension_numbers = #tpu.dot_dimension_numbers<[1], [1], [0], [0], [0, 0, 1, 0], [], []>, transpose_lhs_hint = false} : vector<32x1024xbf16>, vector<64x1024xbf16>, vector<32x64xf32> -> vector<32x64xf32>
    %add3A_139 = arith.addf %dot_general3A_136, %dot_general3A_138 : vector<32x64xf32>
    %add3A_140 = arith.addf %dot_general3A_134, %add3A_139 : vector<32x64xf32>
    %slice3A_141 = vector.extract_strided_slice %convert_element_type3A_83 {offsets = [128, 0], sizes = [32, 1024], strides = [1, 1]} : vector<512x1024xbf16> to vector<32x1024xbf16>
    %slice3A_142 = vector.extract_strided_slice %convert_element_type3A_86 {offsets = [128, 0], sizes = [32, 1024], strides = [1, 1]} : vector<512x1024xbf16> to vector<32x1024xbf16>
    %slice3A_143 = vector.extract_strided_slice %convert_element_type3A_90 {offsets = [256, 0], sizes = [64, 1024], strides = [1, 1]} : vector<1024x1024xbf16> to vector<64x1024xbf16>
    %slice3A_144 = vector.extract_strided_slice %convert_element_type3A_93 {offsets = [256, 0], sizes = [64, 1024], strides = [1, 1]} : vector<1024x1024xbf16> to vector<64x1024xbf16>
    %dot_general3A_145 = arith.constant dense<0.000000e+00> : vector<32x64xf32>
    %dot_general3A_146 = tpu.matmul %slice3A_141, %slice3A_143, %dot_general3A_145 {dimension_numbers = #tpu.dot_dimension_numbers<[1], [1], [0], [0], [0, 0, 1, 0], [], []>, transpose_lhs_hint = false} : vector<32x1024xbf16>, vector<64x1024xbf16>, vector<32x64xf32> -> vector<32x64xf32>
    %dot_general3A_147 = arith.constant dense<0.000000e+00> : vector<32x64xf32>
    %dot_general3A_148 = tpu.matmul %slice3A_141, %slice3A_144, %dot_general3A_147 {dimension_numbers = #tpu.dot_dimension_numbers<[1], [1], [0], [0], [0, 0, 1, 0], [], []>, transpose_lhs_hint = false} : vector<32x1024xbf16>, vector<64x1024xbf16>, vector<32x64xf32> -> vector<32x64xf32>
    %dot_general3A_149 = arith.constant dense<0.000000e+00> : vector<32x64xf32>
    %dot_general3A_150 = tpu.matmul %slice3A_142, %slice3A_143, %dot_general3A_149 {dimension_numbers = #tpu.dot_dimension_numbers<[1], [1], [0], [0], [0, 0, 1, 0], [], []>, transpose_lhs_hint = false} : vector<32x1024xbf16>, vector<64x1024xbf16>, vector<32x64xf32> -> vector<32x64xf32>
    %add3A_151 = arith.addf %dot_general3A_148, %dot_general3A_150 : vector<32x64xf32>
    %add3A_152 = arith.addf %dot_general3A_146, %add3A_151 : vector<32x64xf32>
    %slice3A_153 = vector.extract_strided_slice %convert_element_type3A_83 {offsets = [160, 0], sizes = [32, 1024], strides = [1, 1]} : vector<512x1024xbf16> to vector<32x1024xbf16>
    %slice3A_154 = vector.extract_strided_slice %convert_element_type3A_86 {offsets = [160, 0], sizes = [32, 1024], strides = [1, 1]} : vector<512x1024xbf16> to vector<32x1024xbf16>
    %slice3A_155 = vector.extract_strided_slice %convert_element_type3A_90 {offsets = [320, 0], sizes = [64, 1024], strides = [1, 1]} : vector<1024x1024xbf16> to vector<64x1024xbf16>
    %slice3A_156 = vector.extract_strided_slice %convert_element_type3A_93 {offsets = [320, 0], sizes = [64, 1024], strides = [1, 1]} : vector<1024x1024xbf16> to vector<64x1024xbf16>
    %dot_general3A_157 = arith.constant dense<0.000000e+00> : vector<32x64xf32>
    %dot_general3A_158 = tpu.matmul %slice3A_153, %slice3A_155, %dot_general3A_157 {dimension_numbers = #tpu.dot_dimension_numbers<[1], [1], [0], [0], [0, 0, 1, 0], [], []>, transpose_lhs_hint = false} : vector<32x1024xbf16>, vector<64x1024xbf16>, vector<32x64xf32> -> vector<32x64xf32>
    %dot_general3A_159 = arith.constant dense<0.000000e+00> : vector<32x64xf32>
    %dot_general3A_160 = tpu.matmul %slice3A_153, %slice3A_156, %dot_general3A_159 {dimension_numbers = #tpu.dot_dimension_numbers<[1], [1], [0], [0], [0, 0, 1, 0], [], []>, transpose_lhs_hint = false} : vector<32x1024xbf16>, vector<64x1024xbf16>, vector<32x64xf32> -> vector<32x64xf32>
    %dot_general3A_161 = arith.constant dense<0.000000e+00> : vector<32x64xf32>
    %dot_general3A_162 = tpu.matmul %slice3A_154, %slice3A_155, %dot_general3A_161 {dimension_numbers = #tpu.dot_dimension_numbers<[1], [1], [0], [0], [0, 0, 1, 0], [], []>, transpose_lhs_hint = false} : vector<32x1024xbf16>, vector<64x1024xbf16>, vector<32x64xf32> -> vector<32x64xf32>
    %add3A_163 = arith.addf %dot_general3A_160, %dot_general3A_162 : vector<32x64xf32>
    %add3A_164 = arith.addf %dot_general3A_158, %add3A_163 : vector<32x64xf32>
    %slice3A_165 = vector.extract_strided_slice %convert_element_type3A_83 {offsets = [192, 0], sizes = [32, 1024], strides = [1, 1]} : vector<512x1024xbf16> to vector<32x1024xbf16>
    %slice3A_166 = vector.extract_strided_slice %convert_element_type3A_86 {offsets = [192, 0], sizes = [32, 1024], strides = [1, 1]} : vector<512x1024xbf16> to vector<32x1024xbf16>
    %slice3A_167 = vector.extract_strided_slice %convert_element_type3A_90 {offsets = [384, 0], sizes = [64, 1024], strides = [1, 1]} : vector<1024x1024xbf16> to vector<64x1024xbf16>
    %slice3A_168 = vector.extract_strided_slice %convert_element_type3A_93 {offsets = [384, 0], sizes = [64, 1024], strides = [1, 1]} : vector<1024x1024xbf16> to vector<64x1024xbf16>
    %dot_general3A_169 = arith.constant dense<0.000000e+00> : vector<32x64xf32>
    %dot_general3A_170 = tpu.matmul %slice3A_165, %slice3A_167, %dot_general3A_169 {dimension_numbers = #tpu.dot_dimension_numbers<[1], [1], [0], [0], [0, 0, 1, 0], [], []>, transpose_lhs_hint = false} : vector<32x1024xbf16>, vector<64x1024xbf16>, vector<32x64xf32> -> vector<32x64xf32>
    %dot_general3A_171 = arith.constant dense<0.000000e+00> : vector<32x64xf32>
    %dot_general3A_172 = tpu.matmul %slice3A_165, %slice3A_168, %dot_general3A_171 {dimension_numbers = #tpu.dot_dimension_numbers<[1], [1], [0], [0], [0, 0, 1, 0], [], []>, transpose_lhs_hint = false} : vector<32x1024xbf16>, vector<64x1024xbf16>, vector<32x64xf32> -> vector<32x64xf32>
    %dot_general3A_173 = arith.constant dense<0.000000e+00> : vector<32x64xf32>
    %dot_general3A_174 = tpu.matmul %slice3A_166, %slice3A_167, %dot_general3A_173 {dimension_numbers = #tpu.dot_dimension_numbers<[1], [1], [0], [0], [0, 0, 1, 0], [], []>, transpose_lhs_hint = false} : vector<32x1024xbf16>, vector<64x1024xbf16>, vector<32x64xf32> -> vector<32x64xf32>
    %add3A_175 = arith.addf %dot_general3A_172, %dot_general3A_174 : vector<32x64xf32>
    %add3A_176 = arith.addf %dot_general3A_170, %add3A_175 : vector<32x64xf32>
    %slice3A_177 = vector.extract_strided_slice %convert_element_type3A_83 {offsets = [224, 0], sizes = [32, 1024], strides = [1, 1]} : vector<512x1024xbf16> to vector<32x1024xbf16>
    %slice3A_178 = vector.extract_strided_slice %convert_element_type3A_86 {offsets = [224, 0], sizes = [32, 1024], strides = [1, 1]} : vector<512x1024xbf16> to vector<32x1024xbf16>
    %slice3A_179 = vector.extract_strided_slice %convert_element_type3A_90 {offsets = [448, 0], sizes = [64, 1024], strides = [1, 1]} : vector<1024x1024xbf16> to vector<64x1024xbf16>
    %slice3A_180 = vector.extract_strided_slice %convert_element_type3A_93 {offsets = [448, 0], sizes = [64, 1024], strides = [1, 1]} : vector<1024x1024xbf16> to vector<64x1024xbf16>
    %dot_general3A_181 = arith.constant dense<0.000000e+00> : vector<32x64xf32>
    %dot_general3A_182 = tpu.matmul %slice3A_177, %slice3A_179, %dot_general3A_181 {dimension_numbers = #tpu.dot_dimension_numbers<[1], [1], [0], [0], [0, 0, 1, 0], [], []>, transpose_lhs_hint = false} : vector<32x1024xbf16>, vector<64x1024xbf16>, vector<32x64xf32> -> vector<32x64xf32>
    %dot_general3A_183 = arith.constant dense<0.000000e+00> : vector<32x64xf32>
    %dot_general3A_184 = tpu.matmul %slice3A_177, %slice3A_180, %dot_general3A_183 {dimension_numbers = #tpu.dot_dimension_numbers<[1], [1], [0], [0], [0, 0, 1, 0], [], []>, transpose_lhs_hint = false} : vector<32x1024xbf16>, vector<64x1024xbf16>, vector<32x64xf32> -> vector<32x64xf32>
    %dot_general3A_185 = arith.constant dense<0.000000e+00> : vector<32x64xf32>
    %dot_general3A_186 = tpu.matmul %slice3A_178, %slice3A_179, %dot_general3A_185 {dimension_numbers = #tpu.dot_dimension_numbers<[1], [1], [0], [0], [0, 0, 1, 0], [], []>, transpose_lhs_hint = false} : vector<32x1024xbf16>, vector<64x1024xbf16>, vector<32x64xf32> -> vector<32x64xf32>
    %add3A_187 = arith.addf %dot_general3A_184, %dot_general3A_186 : vector<32x64xf32>
    %add3A_188 = arith.addf %dot_general3A_182, %add3A_187 : vector<32x64xf32>
    %slice3A_189 = vector.extract_strided_slice %convert_element_type3A_83 {offsets = [256, 0], sizes = [32, 1024], strides = [1, 1]} : vector<512x1024xbf16> to vector<32x1024xbf16>
    %slice3A_190 = vector.extract_strided_slice %convert_element_type3A_86 {offsets = [256, 0], sizes = [32, 1024], strides = [1, 1]} : vector<512x1024xbf16> to vector<32x1024xbf16>
    %slice3A_191 = vector.extract_strided_slice %convert_element_type3A_90 {offsets = [512, 0], sizes = [64, 1024], strides = [1, 1]} : vector<1024x1024xbf16> to vector<64x1024xbf16>
    %slice3A_192 = vector.extract_strided_slice %convert_element_type3A_93 {offsets = [512, 0], sizes = [64, 1024], strides = [1, 1]} : vector<1024x1024xbf16> to vector<64x1024xbf16>
    %dot_general3A_193 = arith.constant dense<0.000000e+00> : vector<32x64xf32>
    %dot_general3A_194 = tpu.matmul %slice3A_189, %slice3A_191, %dot_general3A_193 {dimension_numbers = #tpu.dot_dimension_numbers<[1], [1], [0], [0], [0, 0, 1, 0], [], []>, transpose_lhs_hint = false} : vector<32x1024xbf16>, vector<64x1024xbf16>, vector<32x64xf32> -> vector<32x64xf32>
    %dot_general3A_195 = arith.constant dense<0.000000e+00> : vector<32x64xf32>
    %dot_general3A_196 = tpu.matmul %slice3A_189, %slice3A_192, %dot_general3A_195 {dimension_numbers = #tpu.dot_dimension_numbers<[1], [1], [0], [0], [0, 0, 1, 0], [], []>, transpose_lhs_hint = false} : vector<32x1024xbf16>, vector<64x1024xbf16>, vector<32x64xf32> -> vector<32x64xf32>
    %dot_general3A_197 = arith.constant dense<0.000000e+00> : vector<32x64xf32>
    %dot_general3A_198 = tpu.matmul %slice3A_190, %slice3A_191, %dot_general3A_197 {dimension_numbers = #tpu.dot_dimension_numbers<[1], [1], [0], [0], [0, 0, 1, 0], [], []>, transpose_lhs_hint = false} : vector<32x1024xbf16>, vector<64x1024xbf16>, vector<32x64xf32> -> vector<32x64xf32>
    %add3A_199 = arith.addf %dot_general3A_196, %dot_general3A_198 : vector<32x64xf32>
    %add3A_200 = arith.addf %dot_general3A_194, %add3A_199 : vector<32x64xf32>
    %slice3A_201 = vector.extract_strided_slice %convert_element_type3A_83 {offsets = [288, 0], sizes = [32, 1024], strides = [1, 1]} : vector<512x1024xbf16> to vector<32x1024xbf16>
    %slice3A_202 = vector.extract_strided_slice %convert_element_type3A_86 {offsets = [288, 0], sizes = [32, 1024], strides = [1, 1]} : vector<512x1024xbf16> to vector<32x1024xbf16>
    %slice3A_203 = vector.extract_strided_slice %convert_element_type3A_90 {offsets = [576, 0], sizes = [64, 1024], strides = [1, 1]} : vector<1024x1024xbf16> to vector<64x1024xbf16>
    %slice3A_204 = vector.extract_strided_slice %convert_element_type3A_93 {offsets = [576, 0], sizes = [64, 1024], strides = [1, 1]} : vector<1024x1024xbf16> to vector<64x1024xbf16>
    %dot_general3A_205 = arith.constant dense<0.000000e+00> : vector<32x64xf32>
    %dot_general3A_206 = tpu.matmul %slice3A_201, %slice3A_203, %dot_general3A_205 {dimension_numbers = #tpu.dot_dimension_numbers<[1], [1], [0], [0], [0, 0, 1, 0], [], []>, transpose_lhs_hint = false} : vector<32x1024xbf16>, vector<64x1024xbf16>, vector<32x64xf32> -> vector<32x64xf32>
    %dot_general3A_207 = arith.constant dense<0.000000e+00> : vector<32x64xf32>
    %dot_general3A_208 = tpu.matmul %slice3A_201, %slice3A_204, %dot_general3A_207 {dimension_numbers = #tpu.dot_dimension_numbers<[1], [1], [0], [0], [0, 0, 1, 0], [], []>, transpose_lhs_hint = false} : vector<32x1024xbf16>, vector<64x1024xbf16>, vector<32x64xf32> -> vector<32x64xf32>
    %dot_general3A_209 = arith.constant dense<0.000000e+00> : vector<32x64xf32>
    %dot_general3A_210 = tpu.matmul %slice3A_202, %slice3A_203, %dot_general3A_209 {dimension_numbers = #tpu.dot_dimension_numbers<[1], [1], [0], [0], [0, 0, 1, 0], [], []>, transpose_lhs_hint = false} : vector<32x1024xbf16>, vector<64x1024xbf16>, vector<32x64xf32> -> vector<32x64xf32>
    %add3A_211 = arith.addf %dot_general3A_208, %dot_general3A_210 : vector<32x64xf32>
    %add3A_212 = arith.addf %dot_general3A_206, %add3A_211 : vector<32x64xf32>
    %slice3A_213 = vector.extract_strided_slice %convert_element_type3A_83 {offsets = [320, 0], sizes = [32, 1024], strides = [1, 1]} : vector<512x1024xbf16> to vector<32x1024xbf16>
    %slice3A_214 = vector.extract_strided_slice %convert_element_type3A_86 {offsets = [320, 0], sizes = [32, 1024], strides = [1, 1]} : vector<512x1024xbf16> to vector<32x1024xbf16>
    %slice3A_215 = vector.extract_strided_slice %convert_element_type3A_90 {offsets = [640, 0], sizes = [64, 1024], strides = [1, 1]} : vector<1024x1024xbf16> to vector<64x1024xbf16>
    %slice3A_216 = vector.extract_strided_slice %convert_element_type3A_93 {offsets = [640, 0], sizes = [64, 1024], strides = [1, 1]} : vector<1024x1024xbf16> to vector<64x1024xbf16>
    %dot_general3A_217 = arith.constant dense<0.000000e+00> : vector<32x64xf32>
    %dot_general3A_218 = tpu.matmul %slice3A_213, %slice3A_215, %dot_general3A_217 {dimension_numbers = #tpu.dot_dimension_numbers<[1], [1], [0], [0], [0, 0, 1, 0], [], []>, transpose_lhs_hint = false} : vector<32x1024xbf16>, vector<64x1024xbf16>, vector<32x64xf32> -> vector<32x64xf32>
    %dot_general3A_219 = arith.constant dense<0.000000e+00> : vector<32x64xf32>
    %dot_general3A_220 = tpu.matmul %slice3A_213, %slice3A_216, %dot_general3A_219 {dimension_numbers = #tpu.dot_dimension_numbers<[1], [1], [0], [0], [0, 0, 1, 0], [], []>, transpose_lhs_hint = false} : vector<32x1024xbf16>, vector<64x1024xbf16>, vector<32x64xf32> -> vector<32x64xf32>
    %dot_general3A_221 = arith.constant dense<0.000000e+00> : vector<32x64xf32>
    %dot_general3A_222 = tpu.matmul %slice3A_214, %slice3A_215, %dot_general3A_221 {dimension_numbers = #tpu.dot_dimension_numbers<[1], [1], [0], [0], [0, 0, 1, 0], [], []>, transpose_lhs_hint = false} : vector<32x1024xbf16>, vector<64x1024xbf16>, vector<32x64xf32> -> vector<32x64xf32>
    %add3A_223 = arith.addf %dot_general3A_220, %dot_general3A_222 : vector<32x64xf32>
    %add3A_224 = arith.addf %dot_general3A_218, %add3A_223 : vector<32x64xf32>
    %slice3A_225 = vector.extract_strided_slice %convert_element_type3A_83 {offsets = [352, 0], sizes = [32, 1024], strides = [1, 1]} : vector<512x1024xbf16> to vector<32x1024xbf16>
    %slice3A_226 = vector.extract_strided_slice %convert_element_type3A_86 {offsets = [352, 0], sizes = [32, 1024], strides = [1, 1]} : vector<512x1024xbf16> to vector<32x1024xbf16>
    %slice3A_227 = vector.extract_strided_slice %convert_element_type3A_90 {offsets = [704, 0], sizes = [64, 1024], strides = [1, 1]} : vector<1024x1024xbf16> to vector<64x1024xbf16>
    %slice3A_228 = vector.extract_strided_slice %convert_element_type3A_93 {offsets = [704, 0], sizes = [64, 1024], strides = [1, 1]} : vector<1024x1024xbf16> to vector<64x1024xbf16>
    %dot_general3A_229 = arith.constant dense<0.000000e+00> : vector<32x64xf32>
    %dot_general3A_230 = tpu.matmul %slice3A_225, %slice3A_227, %dot_general3A_229 {dimension_numbers = #tpu.dot_dimension_numbers<[1], [1], [0], [0], [0, 0, 1, 0], [], []>, transpose_lhs_hint = false} : vector<32x1024xbf16>, vector<64x1024xbf16>, vector<32x64xf32> -> vector<32x64xf32>
    %dot_general3A_231 = arith.constant dense<0.000000e+00> : vector<32x64xf32>
    %dot_general3A_232 = tpu.matmul %slice3A_225, %slice3A_228, %dot_general3A_231 {dimension_numbers = #tpu.dot_dimension_numbers<[1], [1], [0], [0], [0, 0, 1, 0], [], []>, transpose_lhs_hint = false} : vector<32x1024xbf16>, vector<64x1024xbf16>, vector<32x64xf32> -> vector<32x64xf32>
    %dot_general3A_233 = arith.constant dense<0.000000e+00> : vector<32x64xf32>
    %dot_general3A_234 = tpu.matmul %slice3A_226, %slice3A_227, %dot_general3A_233 {dimension_numbers = #tpu.dot_dimension_numbers<[1], [1], [0], [0], [0, 0, 1, 0], [], []>, transpose_lhs_hint = false} : vector<32x1024xbf16>, vector<64x1024xbf16>, vector<32x64xf32> -> vector<32x64xf32>
    %add3A_235 = arith.addf %dot_general3A_232, %dot_general3A_234 : vector<32x64xf32>
    %add3A_236 = arith.addf %dot_general3A_230, %add3A_235 : vector<32x64xf32>
    %slice3A_237 = vector.extract_strided_slice %convert_element_type3A_83 {offsets = [384, 0], sizes = [32, 1024], strides = [1, 1]} : vector<512x1024xbf16> to vector<32x1024xbf16>
    %slice3A_238 = vector.extract_strided_slice %convert_element_type3A_86 {offsets = [384, 0], sizes = [32, 1024], strides = [1, 1]} : vector<512x1024xbf16> to vector<32x1024xbf16>
    %slice3A_239 = vector.extract_strided_slice %convert_element_type3A_90 {offsets = [768, 0], sizes = [64, 1024], strides = [1, 1]} : vector<1024x1024xbf16> to vector<64x1024xbf16>
    %slice3A_240 = vector.extract_strided_slice %convert_element_type3A_93 {offsets = [768, 0], sizes = [64, 1024], strides = [1, 1]} : vector<1024x1024xbf16> to vector<64x1024xbf16>
    %dot_general3A_241 = arith.constant dense<0.000000e+00> : vector<32x64xf32>
    %dot_general3A_242 = tpu.matmul %slice3A_237, %slice3A_239, %dot_general3A_241 {dimension_numbers = #tpu.dot_dimension_numbers<[1], [1], [0], [0], [0, 0, 1, 0], [], []>, transpose_lhs_hint = false} : vector<32x1024xbf16>, vector<64x1024xbf16>, vector<32x64xf32> -> vector<32x64xf32>
    %dot_general3A_243 = arith.constant dense<0.000000e+00> : vector<32x64xf32>
    %dot_general3A_244 = tpu.matmul %slice3A_237, %slice3A_240, %dot_general3A_243 {dimension_numbers = #tpu.dot_dimension_numbers<[1], [1], [0], [0], [0, 0, 1, 0], [], []>, transpose_lhs_hint = false} : vector<32x1024xbf16>, vector<64x1024xbf16>, vector<32x64xf32> -> vector<32x64xf32>
    %dot_general3A_245 = arith.constant dense<0.000000e+00> : vector<32x64xf32>
    %dot_general3A_246 = tpu.matmul %slice3A_238, %slice3A_239, %dot_general3A_245 {dimension_numbers = #tpu.dot_dimension_numbers<[1], [1], [0], [0], [0, 0, 1, 0], [], []>, transpose_lhs_hint = false} : vector<32x1024xbf16>, vector<64x1024xbf16>, vector<32x64xf32> -> vector<32x64xf32>
    %add3A_247 = arith.addf %dot_general3A_244, %dot_general3A_246 : vector<32x64xf32>
    %add3A_248 = arith.addf %dot_general3A_242, %add3A_247 : vector<32x64xf32>
    %slice3A_249 = vector.extract_strided_slice %convert_element_type3A_83 {offsets = [416, 0], sizes = [32, 1024], strides = [1, 1]} : vector<512x1024xbf16> to vector<32x1024xbf16>
    %slice3A_250 = vector.extract_strided_slice %convert_element_type3A_86 {offsets = [416, 0], sizes = [32, 1024], strides = [1, 1]} : vector<512x1024xbf16> to vector<32x1024xbf16>
    %slice3A_251 = vector.extract_strided_slice %convert_element_type3A_90 {offsets = [832, 0], sizes = [64, 1024], strides = [1, 1]} : vector<1024x1024xbf16> to vector<64x1024xbf16>
    %slice3A_252 = vector.extract_strided_slice %convert_element_type3A_93 {offsets = [832, 0], sizes = [64, 1024], strides = [1, 1]} : vector<1024x1024xbf16> to vector<64x1024xbf16>
    %dot_general3A_253 = arith.constant dense<0.000000e+00> : vector<32x64xf32>
    %dot_general3A_254 = tpu.matmul %slice3A_249, %slice3A_251, %dot_general3A_253 {dimension_numbers = #tpu.dot_dimension_numbers<[1], [1], [0], [0], [0, 0, 1, 0], [], []>, transpose_lhs_hint = false} : vector<32x1024xbf16>, vector<64x1024xbf16>, vector<32x64xf32> -> vector<32x64xf32>
    %dot_general3A_255 = arith.constant dense<0.000000e+00> : vector<32x64xf32>
    %dot_general3A_256 = tpu.matmul %slice3A_249, %slice3A_252, %dot_general3A_255 {dimension_numbers = #tpu.dot_dimension_numbers<[1], [1], [0], [0], [0, 0, 1, 0], [], []>, transpose_lhs_hint = false} : vector<32x1024xbf16>, vector<64x1024xbf16>, vector<32x64xf32> -> vector<32x64xf32>
    %dot_general3A_257 = arith.constant dense<0.000000e+00> : vector<32x64xf32>
    %dot_general3A_258 = tpu.matmul %slice3A_250, %slice3A_251, %dot_general3A_257 {dimension_numbers = #tpu.dot_dimension_numbers<[1], [1], [0], [0], [0, 0, 1, 0], [], []>, transpose_lhs_hint = false} : vector<32x1024xbf16>, vector<64x1024xbf16>, vector<32x64xf32> -> vector<32x64xf32>
    %add3A_259 = arith.addf %dot_general3A_256, %dot_general3A_258 : vector<32x64xf32>
    %add3A_260 = arith.addf %dot_general3A_254, %add3A_259 : vector<32x64xf32>
    %slice3A_261 = vector.extract_strided_slice %convert_element_type3A_83 {offsets = [448, 0], sizes = [32, 1024], strides = [1, 1]} : vector<512x1024xbf16> to vector<32x1024xbf16>
    %slice3A_262 = vector.extract_strided_slice %convert_element_type3A_86 {offsets = [448, 0], sizes = [32, 1024], strides = [1, 1]} : vector<512x1024xbf16> to vector<32x1024xbf16>
    %slice3A_263 = vector.extract_strided_slice %convert_element_type3A_90 {offsets = [896, 0], sizes = [64, 1024], strides = [1, 1]} : vector<1024x1024xbf16> to vector<64x1024xbf16>
    %slice3A_264 = vector.extract_strided_slice %convert_element_type3A_93 {offsets = [896, 0], sizes = [64, 1024], strides = [1, 1]} : vector<1024x1024xbf16> to vector<64x1024xbf16>
    %dot_general3A_265 = arith.constant dense<0.000000e+00> : vector<32x64xf32>
    %dot_general3A_266 = tpu.matmul %slice3A_261, %slice3A_263, %dot_general3A_265 {dimension_numbers = #tpu.dot_dimension_numbers<[1], [1], [0], [0], [0, 0, 1, 0], [], []>, transpose_lhs_hint = false} : vector<32x1024xbf16>, vector<64x1024xbf16>, vector<32x64xf32> -> vector<32x64xf32>
    %dot_general3A_267 = arith.constant dense<0.000000e+00> : vector<32x64xf32>
    %dot_general3A_268 = tpu.matmul %slice3A_261, %slice3A_264, %dot_general3A_267 {dimension_numbers = #tpu.dot_dimension_numbers<[1], [1], [0], [0], [0, 0, 1, 0], [], []>, transpose_lhs_hint = false} : vector<32x1024xbf16>, vector<64x1024xbf16>, vector<32x64xf32> -> vector<32x64xf32>
    %dot_general3A_269 = arith.constant dense<0.000000e+00> : vector<32x64xf32>
    %dot_general3A_270 = tpu.matmul %slice3A_262, %slice3A_263, %dot_general3A_269 {dimension_numbers = #tpu.dot_dimension_numbers<[1], [1], [0], [0], [0, 0, 1, 0], [], []>, transpose_lhs_hint = false} : vector<32x1024xbf16>, vector<64x1024xbf16>, vector<32x64xf32> -> vector<32x64xf32>
    %add3A_271 = arith.addf %dot_general3A_268, %dot_general3A_270 : vector<32x64xf32>
    %add3A_272 = arith.addf %dot_general3A_266, %add3A_271 : vector<32x64xf32>
    %slice3A_273 = vector.extract_strided_slice %convert_element_type3A_83 {offsets = [480, 0], sizes = [32, 1024], strides = [1, 1]} : vector<512x1024xbf16> to vector<32x1024xbf16>
    %slice3A_274 = vector.extract_strided_slice %convert_element_type3A_86 {offsets = [480, 0], sizes = [32, 1024], strides = [1, 1]} : vector<512x1024xbf16> to vector<32x1024xbf16>
    %slice3A_275 = vector.extract_strided_slice %convert_element_type3A_90 {offsets = [960, 0], sizes = [64, 1024], strides = [1, 1]} : vector<1024x1024xbf16> to vector<64x1024xbf16>
    %slice3A_276 = vector.extract_strided_slice %convert_element_type3A_93 {offsets = [960, 0], sizes = [64, 1024], strides = [1, 1]} : vector<1024x1024xbf16> to vector<64x1024xbf16>
    %dot_general3A_277 = arith.constant dense<0.000000e+00> : vector<32x64xf32>
    %dot_general3A_278 = tpu.matmul %slice3A_273, %slice3A_275, %dot_general3A_277 {dimension_numbers = #tpu.dot_dimension_numbers<[1], [1], [0], [0], [0, 0, 1, 0], [], []>, transpose_lhs_hint = false} : vector<32x1024xbf16>, vector<64x1024xbf16>, vector<32x64xf32> -> vector<32x64xf32>
    %dot_general3A_279 = arith.constant dense<0.000000e+00> : vector<32x64xf32>
    %dot_general3A_280 = tpu.matmul %slice3A_273, %slice3A_276, %dot_general3A_279 {dimension_numbers = #tpu.dot_dimension_numbers<[1], [1], [0], [0], [0, 0, 1, 0], [], []>, transpose_lhs_hint = false} : vector<32x1024xbf16>, vector<64x1024xbf16>, vector<32x64xf32> -> vector<32x64xf32>
    %dot_general3A_281 = arith.constant dense<0.000000e+00> : vector<32x64xf32>
    %dot_general3A_282 = tpu.matmul %slice3A_274, %slice3A_275, %dot_general3A_281 {dimension_numbers = #tpu.dot_dimension_numbers<[1], [1], [0], [0], [0, 0, 1, 0], [], []>, transpose_lhs_hint = false} : vector<32x1024xbf16>, vector<64x1024xbf16>, vector<32x64xf32> -> vector<32x64xf32>
    %add3A_283 = arith.addf %dot_general3A_280, %dot_general3A_282 : vector<32x64xf32>
    %add3A_284 = arith.addf %dot_general3A_278, %add3A_283 : vector<32x64xf32>
    %concatenate3A = tpu.concatenate %add3A_104, %add3A_116, %add3A_128, %add3A_140, %add3A_152, %add3A_164, %add3A_176, %add3A_188, %add3A_200, %add3A_212, %add3A_224, %add3A_236, %add3A_248, %add3A_260, %add3A_272, %add3A_284 in 1 : vector<32x64xf32>, vector<32x64xf32>, vector<32x64xf32>, vector<32x64xf32>, vector<32x64xf32>, vector<32x64xf32>, vector<32x64xf32>, vector<32x64xf32>, vector<32x64xf32>, vector<32x64xf32>, vector<32x64xf32>, vector<32x64xf32>, vector<32x64xf32>, vector<32x64xf32>, vector<32x64xf32>, vector<32x64xf32> -> vector<32x1024xf32>
    %get3A_285 = arith.constant 0 : index
    %get3A_286 = arith.constant 0 : index
    %get3A_287 = vector.load %arg11[%get3A_285, %get3A_286] : memref<1x1024xf32, #tpu.memory_space<vmem>>, vector<1x1024xf32>
    %add3A_288 = vector.broadcast %get3A_287 : vector<1x1024xf32> to vector<32x1024xf32>
    %add3A_289 = arith.addf %concatenate3A, %add3A_288 : vector<32x1024xf32>
    %get3A_290 = arith.constant 0 : index
    %get3A_291 = arith.constant 0 : index
    %get3A_292 = vector.load %arg2[%get3A_290, %get3A_291] : memref<32x1024xf32, #tpu.memory_space<vmem>>, vector<32x1024xf32>
    %get3A_293 = arith.constant 0 : index
    %get3A_294 = arith.constant 0 : index
    %get3A_295 = vector.load %arg12[%get3A_293, %get3A_294] : memref<1024x1024xf32, #tpu.memory_space<vmem>>, vector<1024x1024xf32>
    %convert_element_type3A_296 = arith.truncf %add3A_289 : vector<32x1024xf32> to vector<32x1024xbf16>
    %convert_element_type3A_297 = arith.extf %convert_element_type3A_296 : vector<32x1024xbf16> to vector<32x1024xf32>
    %sub3A_298 = arith.subf %add3A_289, %convert_element_type3A_297 : vector<32x1024xf32>
    %convert_element_type3A_299 = arith.truncf %sub3A_298 : vector<32x1024xf32> to vector<32x1024xbf16>
    %convert_element_type3A_300 = arith.truncf %get3A_295 : vector<1024x1024xf32> to vector<1024x1024xbf16>
    %convert_element_type3A_301 = arith.extf %convert_element_type3A_300 : vector<1024x1024xbf16> to vector<1024x1024xf32>
    %sub3A_302 = arith.subf %get3A_295, %convert_element_type3A_301 : vector<1024x1024xf32>
    %convert_element_type3A_303 = arith.truncf %sub3A_302 : vector<1024x1024xf32> to vector<1024x1024xbf16>
    %dot_general3A_304 = arith.constant dense<0.000000e+00> : vector<32x1024xf32>
    %dot_general3A_305 = tpu.matmul %convert_element_type3A_296, %convert_element_type3A_300, %dot_general3A_304 {dimension_numbers = #tpu.dot_dimension_numbers<[1], [1], [0], [0], [0, 0, 1, 0], [], []>, transpose_lhs_hint = false} : vector<32x1024xbf16>, vector<1024x1024xbf16>, vector<32x1024xf32> -> vector<32x1024xf32>
    %dot_general3A_306 = arith.constant dense<0.000000e+00> : vector<32x1024xf32>
    %dot_general3A_307 = tpu.matmul %convert_element_type3A_296, %convert_element_type3A_303, %dot_general3A_306 {dimension_numbers = #tpu.dot_dimension_numbers<[1], [1], [0], [0], [0, 0, 1, 0], [], []>, transpose_lhs_hint = false} : vector<32x1024xbf16>, vector<1024x1024xbf16>, vector<32x1024xf32> -> vector<32x1024xf32>
    %dot_general3A_308 = arith.constant dense<0.000000e+00> : vector<32x1024xf32>
    %dot_general3A_309 = tpu.matmul %convert_element_type3A_299, %convert_element_type3A_300, %dot_general3A_308 {dimension_numbers = #tpu.dot_dimension_numbers<[1], [1], [0], [0], [0, 0, 1, 0], [], []>, transpose_lhs_hint = false} : vector<32x1024xbf16>, vector<1024x1024xbf16>, vector<32x1024xf32> -> vector<32x1024xf32>
    %add3A_310 = arith.addf %dot_general3A_307, %dot_general3A_309 : vector<32x1024xf32>
    %add3A_311 = arith.addf %dot_general3A_305, %add3A_310 : vector<32x1024xf32>
    %add3A_312 = arith.addf %get3A_292, %add3A_311 : vector<32x1024xf32>
    %get3A_313 = arith.constant 0 : index
    %get3A_314 = arith.constant 0 : index
    %get3A_315 = vector.load %arg13[%get3A_313, %get3A_314] : memref<1x1024xf32, #tpu.memory_space<vmem>>, vector<1x1024xf32>
    %add3A_316 = vector.broadcast %get3A_315 : vector<1x1024xf32> to vector<32x1024xf32>
    %add3A_317 = arith.addf %add3A_312, %add3A_316 : vector<32x1024xf32>
    %swap3A_318 = arith.constant 0 : index
    %swap3A_319 = arith.constant 0 : index
    %swap3A_320 = arith.constant 0 : index
    %swap3A_321 = vector.load %arg14[%swap3A_318, %swap3A_319, %swap3A_320] : memref<1x32x1024xf32, #tpu.memory_space<vmem>>, vector<1x32x1024xf32>
    %swap3A_322 = vector.shape_cast %swap3A_321 : vector<1x32x1024xf32> to vector<32x1024xf32>
    %swap3A_323 = vector.shape_cast %add3A_317 : vector<32x1024xf32> to vector<1x32x1024xf32>
    tpu.vector_store %arg14[%swap3A_318, %swap3A_319, %swap3A_320], %swap3A_323 {strides = array<i32>} : memref<1x32x1024xf32, #tpu.memory_space<vmem>>, vector<1x32x1024xf32>,
    return
  }
  func.func @transform_0(%arg0: i32) -> (i32, i32, i32) {
    %c0_i32 = arith.constant 0 : i32
    %c0_i32_0 = arith.constant 0 : i32
    %c0_i32_1 = arith.constant 0 : i32
    return %arg0, %c0_i32, %c0_i32_0 : i32, i32, i32
  }
  func.func @transform_1(%arg0: i32) -> (i32, i32) {
    %c0_i32 = arith.constant 0 : i32
    %c0_i32_0 = arith.constant 0 : i32
    %c0_i32_1 = arith.constant 0 : i32
    return %c0_i32, %c0_i32_0 : i32, i32
  }
  func.func @transform_2(%arg0: i32) -> (i32, i32) {
    %c0_i32 = arith.constant 0 : i32
    %c0_i32_0 = arith.constant 0 : i32
    %c0_i32_1 = arith.constant 0 : i32
    return %c0_i32, %c0_i32_0 : i32, i32
  }
  func.func @transform_3(%arg0: i32) -> (i32, i32) {
    %c0_i32 = arith.constant 0 : i32
    %c0_i32_0 = arith.constant 0 : i32
    %c0_i32_1 = arith.constant 0 : i32
    return %c0_i32, %c0_i32_0 : i32, i32
  }
  func.func @transform_4(%arg0: i32) -> (i32, i32) {
    %c0_i32 = arith.constant 0 : i32
    %c0_i32_0 = arith.constant 0 : i32
    %c0_i32_1 = arith.constant 0 : i32
    return %c0_i32, %c0_i32_0 : i32, i32
  }
  func.func @transform_5(%arg0: i32) -> (i32, i32) {
    %c0_i32 = arith.constant 0 : i32
    %c0_i32_0 = arith.constant 0 : i32
    %c0_i32_1 = arith.constant 0 : i32
    return %c0_i32, %c0_i32_0 : i32, i32
  }
  func.func @transform_6(%arg0: i32) -> (i32, i32) {
    %c0_i32 = arith.constant 0 : i32
    %c0_i32_0 = arith.constant 0 : i32
    %c0_i32_1 = arith.constant 0 : i32
    return %c0_i32, %c0_i32_0 : i32, i32
  }
  func.func @transform_7(%arg0: i32) -> (i32, i32) {
    %c0_i32 = arith.constant 0 : i32
    %c0_i32_0 = arith.constant 0 : i32
    %c0_i32_1 = arith.constant 0 : i32
    return %c0_i32, %c0_i32_0 : i32, i32
  }
  func.func @transform_8(%arg0: i32) -> (i32, i32) {
    %c0_i32 = arith.constant 0 : i32
    %c0_i32_0 = arith.constant 0 : i32
    %c0_i32_1 = arith.constant 0 : i32
    return %c0_i32, %c0_i32_0 : i32, i32
  }
  func.func @transform_9(%arg0: i32) -> (i32, i32) {
    %c0_i32 = arith.constant 0 : i32
    %c0_i32_0 = arith.constant 0 : i32
    %c0_i32_1 = arith.constant 0 : i32
    return %c0_i32, %c0_i32_0 : i32, i32
  }
  func.func @transform_10(%arg0: i32) -> (i32, i32) {
    %c0_i32 = arith.constant 0 : i32
    %c0_i32_0 = arith.constant 0 : i32
    %c0_i32_1 = arith.constant 0 : i32
    return %c0_i32, %c0_i32_0 : i32, i32
  }
  func.func @transform_11(%arg0: i32) -> (i32, i32) {
    %c0_i32 = arith.constant 0 : i32
    %c0_i32_0 = arith.constant 0 : i32
    %c0_i32_1 = arith.constant 0 : i32
    return %c0_i32, %c0_i32_0 : i32, i32
  }
  func.func @transform_12(%arg0: i32) -> (i32, i32) {
    %c0_i32 = arith.constant 0 : i32
    %c0_i32_0 = arith.constant 0 : i32
    %c0_i32_1 = arith.constant 0 : i32
    return %c0_i32, %c0_i32_0 : i32, i32
  }
  func.func @transform_13(%arg0: i32) -> (i32, i32, i32) {
    %c0_i32 = arith.constant 0 : i32
    %c0_i32_0 = arith.constant 0 : i32
    %c0_i32_1 = arith.constant 0 : i32
    return %arg0, %c0_i32, %c0_i32_0 : i32, i32, i32
  }
}

</mosaic_0001>

<sc_bundles>
// kernel: kernel.5.cloned.1.call-start
scs
__scs_entry_jumppad:
0x0: {  	(pc) =	sbr.rel $0x88, $3  }
0x1: {  	(tag) =	ssettag $0x0;
	lr =	simm.s32 $0x1  }
0x2: {  	[smem:$0x3F90] =	sst lr;
	_ =	strace $0xD0000000  }
0x3: {  	_ = 	snop  }
0x4: {  	_ = 	snop  }
0x5: {  	_ = 	snop  }
0x6: {  	_ = 	snop  }
0x7: {  	_ = 	snop  }
__scs_overlays_trampoline_lowered:
0x8: {  	[smem:$0x3F9F] =	sst s0  }
0x9: {  	[smem:$0x3FA0] =	sst s1  }
0xa: {  	[smem:$0x3FA1] =	sst s2  }
0xb: {  	[smem:$0x3FA2] =	sst s3  }
0xc: {  	[smem:$0x3FA3] =	sst s4  }
0xd: {  	[smem:$0x3FA4] =	sst s5  }
0xe: {  	[smem:$0x3FA5] =	sst s6  }
0xf: {  	[smem:$0x3FA6] =	sst s7  }
0x10: {  	[smem:$0x3FA7] =	sst s8  }
0x11: {  	[smem:$0x3FA8] =	sst s9;
	s0 =	simm.s32 @!p0 $0x0  }
0x12: {  	s1 =	sld [smem:$0x3F8E];
	s0 =	simm.s32 @p0 $0x1  }
0x13: {  	[smem:$0x3FA9] =	sst s0;
	s0 =	simm.s32 @!p1 $0x0  }
0x14: {  	s2 =	sld [smem:$0x3F8D];
	s0 =	simm.s32 @p1 $0x1  }
0x15: {  	[smem:$0x3FAA] =	sst s0;
	s0 =	simm.s32 @!p2 $0x0  }
0x16: {  	s3 =	sld [smem:$0x3FDB];
	s0 =	simm.s32 @p2 $0x1  }
0x17: {  	s4 =	simm.s32 $0x1BF5;
	[smem:$0x3FAC] =	sst s0  }
0x18: {  	s0 =	sld [smem:$0x3F8F];
	_ =	swait.ge [sflag:s4], $0x0  }
0x19: {  	s7 =	sld [smem:$0x3F90]  }
0x1a: {  	s8 =	sadd.s32 $0xFFFFE003, lr  }
0x1b: {  	s9 =	sadd.s32 $0xFFFFFEF7, lr;
	s5 =	simm.s32 $0xFFFFFFFF;
	p2 =	slt.u32 s8, $0xFFFFF086  }
0x1c: {  	p1 =	slt.u32 s9, $0xF7A;
	s5 =	simm.s32 @!p2 $0x0  }
0x1d: {  	s5 =	simm.s32 @p1 $0x1;
	p0 =	seq.s32 s7, s2  }
0x1e: {  	s7 =	smul.u32 @!p0 $0xF7A, s2;
	p2 =	seq.s32 @!p0 s5, $0x0  }
0x1f: {  	s9 =	smul.u32 $0xF7A, s1;
	s8 =	simm.s32 @!p0 $0x1BF5;
	p2 =	por !p2, p0  }
0x20: {  	[sflag:s8] =	ssyncset.s32 @!p0 $0xFFFFF086;
	s6 =	sadd.s32 @!p0 s3, s7;
	s7 =	simm.s32 @!p0 $0x108  }
0x21: {  	s3 =	sadd.s32 s3, s9;
	s6 =	sadd.s32 @!p0 $0x88, s6;
	s7 =	simm.s32 @p2 $0x1082  }
0x22: {  	[simem:s7], [sflag:s8] =	dma.local @!p0 [hbm:s6], $0xF7A  }
0x23: {  	s9 =	sor.u32 $0xD0000000, s2;
	s6 =	simm.s32 $0x108;
	_ =	swait.ge @!p0 [sflag:s8], $0x0  }
0x24: {  	s3 =	sadd.s32 $0x88, s3;
	s6 =	simm.s32 @!p1 $0x1082;
	[sflag:s4] =	ssyncset.s32 $0xFFFFF086  }
0x25: {  	[simem:s6], [sflag:s4] =	dma.local [hbm:s3], $0xF7A  }
0x26: {  	[smem:$0x3F90] =	sst s1;
	(tag) =	ssettag s2;
	_ =	strace s9  }
0x27: {  	s1 =	sld [smem:$0x3FA0]  }
0x28: {  	s2 =	sld [smem:$0x3FA1]  }
0x29: {  	s4 =	sld [smem:$0x3FA3]  }
0x2a: {  	p0 =	seq.s32 s5, $0x0;
	s5 =	sld [smem:$0x3FA4]  }
0x2b: {  	s6 =	sld [smem:$0x3FA5]  }
0x2c: {  	s7 =	sld [smem:$0x3FA6]  }
0x2d: {  	s3 =	simm.s32 $0x108;
	s8 =	sld [smem:$0x3FA7]  }
0x2e: {  	s3 =	simm.s32 @!p0 $0x1082;
	s9 =	sld [smem:$0x3FA8]  }
0x2f: {  	lr =	sadd.s32 s0, s3;
	s0 =	sld [smem:$0x3F9F]  }
0x30: {  	s3 =	sld [smem:$0x3FA2]  }
0x31: {  	[smem:$0x3FAB] =	sst s10  }
0x32: {  	s10 =	sld [smem:$0x3FA9];
	_ =	sdelay $0x3  }
0x33: {  	p0 =	seq.s32 s10, $0x1;
	s10 =	sld [smem:$0x3FAB];
	_ =	sdelay $0x3  }
0x34: {  	[smem:$0x3FAB] =	sst s10  }
0x35: {  	s10 =	sld [smem:$0x3FAA];
	_ =	sdelay $0x3  }
0x36: {  	p1 =	seq.s32 s10, $0x1;
	s10 =	sld [smem:$0x3FAB];
	_ =	sdelay $0x3  }
0x37: {  	[smem:$0x3FAB] =	sst s10  }
0x38: {  	s10 =	sld [smem:$0x3FAC]  }
0x39: {  	_ = 	snop;
	(pc) =	sbr.ind lr, $3  }
0x3a: {  	_ = 	snop  }
0x3b: {  	_ = 	snop  }
0x3c: {  	p2 =	seq.s32 s10, $0x1;
	s10 =	sld [smem:$0x3FAB]  }
0x3d: {  	_ =	shalt  }
0x3e: {  	_ =	shalt  }
0x3f: {  	_ =	shalt  }
0x40: {  	_ =	shalt  }
0x41: {  	_ =	shalt  }
0x42: {  	_ =	shalt  }
0x43: {  	_ =	shalt  }
0x44: {  	_ =	shalt  }
0x45: {  	_ =	shalt  }
0x46: {  	_ =	shalt  }
0x47: {  	_ =	shalt  }
0x48: {  	_ =	shalt  }
0x49: {  	_ =	shalt  }
0x4a: {  	_ =	shalt  }
0x4b: {  	_ =	shalt  }
0x4c: {  	_ =	shalt  }
0x4d: {  	_ =	shalt  }
0x4e: {  	_ =	shalt  }
0x4f: {  	_ =	shalt  }
0x50: {  	_ =	shalt  }
0x51: {  	_ =	shalt  }
0x52: {  	_ =	shalt  }
0x53: {  	_ =	shalt  }
0x54: {  	_ =	shalt  }
0x55: {  	_ =	shalt  }
0x56: {  	_ =	shalt  }
0x57: {  	_ =	shalt  }
0x58: {  	_ =	shalt  }
0x59: {  	_ =	shalt  }
0x5a: {  	_ =	shalt  }
0x5b: {  	_ =	shalt  }
0x5c: {  	_ =	shalt  }
0x5d: {  	_ =	shalt  }
0x5e: {  	_ =	shalt  }
0x5f: {  	_ =	shalt  }
0x60: {  	_ =	shalt  }
0x61: {  	_ =	shalt  }
0x62: {  	_ =	shalt  }
0x63: {  	_ =	shalt  }
0x64: {  	_ =	shalt  }
0x65: {  	_ =	shalt  }
0x66: {  	_ =	shalt  }
0x67: {  	_ =	shalt  }
0x68: {  	_ =	shalt  }
0x69: {  	_ =	shalt  }
0x6a: {  	_ =	shalt  }
0x6b: {  	_ =	shalt  }
0x6c: {  	_ =	shalt  }
0x6d: {  	_ =	shalt  }
0x6e: {  	_ =	shalt  }
0x6f: {  	_ =	shalt  }
0x70: {  	_ =	shalt  }
0x71: {  	_ =	shalt  }
0x72: {  	_ =	shalt  }
0x73: {  	_ =	shalt  }
0x74: {  	_ =	shalt  }
0x75: {  	_ =	shalt  }
0x76: {  	_ =	shalt  }
0x77: {  	_ =	shalt  }
0x78: {  	_ =	shalt  }
0x79: {  	_ =	shalt  }
0x7a: {  	_ =	shalt  }
0x7b: {  	_ =	shalt  }
0x7c: {  	_ =	shalt  }
0x7d: {  	_ =	shalt  }
0x7e: {  	_ =	shalt  }
0x7f: {  	_ =	shalt  }
0x80: {  	_ =	shalt  }
0x81: {  	_ =	shalt  }
0x82: {  	_ =	shalt  }
0x83: {  	_ =	shalt  }
0x84: {  	_ =	shalt  }
0x85: {  	_ =	shalt  }
0x86: {  	_ =	shalt  }
0x87: {  	_ =	shalt  }
.Lfunc_end0:
.L_simem_size_0:
called_computation_lowered:
.L_overlay_start_0:
0x88: {  	s2 =	sld [smem:$0x3FD9]  }
0x89: {  	s3 =	sld [smem:$0x3FFE];
	_ =	sdelay $0x1  }
0x8a: {  	s1 =	srdreg.scid  }
0x8b: {  	s0 =	sand.u32 $0x1, s1  }
0x8c: {  	s14 =	sshll.u32 s0, $0xA;
	s2 =	sadd.s32 s3, s2  }
0x8d: {  	s2 =	sadd.s32 s2, s14  }
0x8e: {  	[smem:$0x3FB7] =	sst s2  }
0x8f: {  	_ = 	snop  }
0x90: {  	s2 =	sld [smem:$0x3FD0];
	_ =	sdelay $0x2  }
0x91: {  	s4 =	simm.s32 $0xA;
	s5 =	simm.s32 $0x10;
	s15 =	sld [smem:$0x3FB9]  }
0x92: {  	[smem:s5], [sflag:s4] =	dma.local [hbm:s2], $0x1  }
0x93: {  	_ =	swait.eq [sflag:s4], $0x1  }
0x94: {  	[sflag:s4] =	ssyncset.done $0x0  }
0x95: {  	[sflag:s4] =	ssyncadd.s32 $0xFFFFFFFF  }
0x96: {  	s16 =	sld [smem:$0x10];
	(tm) =	ssettm $0x1  }
0x97: {  	s17 =	sld [smem:$0x3FFB];
	_ =	sdelay $0x3  }
0x98: {  	_ =	strace s17  }
0x99: {  	s4 =	sld [smem:$0x3FFC];
	_ =	sdelay $0x3  }
0x9a: {  	_ =	strace s4  }
0x9b: {  	s4 =	sld [smem:$0x3FFD];
	_ =	sdelay $0x3  }
0x9c: {  	_ =	strace s4  }
0x9d: {  	_ =	strace $0x8FFFFFFF  }
0x9e: {  	s18 =	sld [smem:$0x3FDB];
	_ =	sdelay $0x1  }
0x9f: {  	s19 =	simm.s32 $_scs_section_size  }
0xa0: {  	s6 =	simm.s32 $_size__tile_overlayer_lowered;
	s7 =	simm.s32 $_tile_overlayer_lowered  }
0xa1: {  	s22 =	simm.s32 $0x1BFF;
	s21 =	sshll.u32 s7, $0x1;
	s4 =	sadd.s32 s19, s18  }
0xa2: {  	s8 =	simm.s32 $0x0;
	s20 =	sshll.u32 s6, $0x1;
	s6 =	sadd.s32 s21, s4  }
0xa3: {  	[timem:s8], [sflag:s22] =	dma.local [hbm:s6], s20  }
0xa4: {  	_ =	swait.ge [sflag:s22], s20  }
0xa5: {  	s5 =	ssub.s32 $0x0, s20;
	[sflag:s22] =	ssyncset.done $0x0  }
0xa6: {  	[sflag:s22] =	ssyncadd.s32 s5;
	_ =	sdelay $0x1  }
0xa7: {  	s23 =	simm.s32 $0x1B8B  }
0xa8: {  	_ =	swait.ge [sflag:s23], $0x1  }
0xa9: {  	[sflag:s23] =	ssyncset.done $0x0  }
0xaa: {  	s25 =	simm.s32 $0x1B8E;
	s24 =	sld [smem:$0x3FFE];
	[sflag:s23] =	ssyncadd.s32 $0xFFFFFFFF  }
0xab: {  	s26 =	simm.s32 $execute0_lowered;
	[smem:$0x3FD2] =	sst s25  }
0xac: {  	s6 =	sshll.u32 s26, $0x1;
	_ =	strace $0x80000046;
	[dreg:$0x1] =	wrdreg $0xFFFFFFFF  }
0xad: {  	s28 =	simm.s32 $_size_execute0_lowered;
	s4 =	sadd.s32 s4, s6;
	[dreg:$0x0] =	wrdreg $0x0  }
0xae: {  	s6 =	sshll.u32 s28, $0x1;
	[dreg:$0x2] =	wrdreg s4  }
0xaf: {  	[dreg:$0x3] =	wrdreg s6  }
0xb0: {  	[dreg:$0x4] =	wrdreg $0xC0  }
0xb1: {  	_ =	task [dreg:s8], $0x5FFFF  }
0xb2: {  	[dreg:$0x1] =	wrdreg $0xFFFFFFFF  }
0xb3: {  	[dreg:$0x0] =	wrdreg $0x60  }
0xb4: {  	[dreg:$0x2] =	wrdreg s24  }
0xb5: {  	[dreg:$0x3] =	wrdreg s15  }
0xb6: {  	[dreg:$0x4] =	wrdreg s16  }
0xb7: {  	[dreg:$0x5] =	wrdreg $0x9  }
0xb8: {  	_ =	task.clear_ibuf [dreg:s8], $0x6FFFF;
	_ =	strace $0x90000046  }
0xb9: {  	s29 =	simm.s32 $0x9;
	_ =	strace $0x80000048  }
0xba: {  	_ =	swait.ge [sflag:s29], $0x1  }
0xbb: {  	[sflag:s29] =	ssyncadd.s32 $0xFFFFFFFF  }
0xbc: {  	_ =	strace $0x90000048  }
0xbd: {  	_ =	sfence  }
0xbe: {  	s30 =	sld [smem:$0x0];
	_ =	sdelay $0x2  }
0xbf: {  	s31 =	sshll.u32 s1, $0xD;
	s1 =	sshrl.u32 s1, $0x2  }
0xc0: {  	s3 =	sand.u32 $0x4000, s31;
	s1 =	sadd.s32 s1, s30  }
0xc1: {  	s0 =	sor.u32 s3, s0;
	s1 =	sshll.u32 s1, $0x11  }
0xc2: {  	s0 =	sor.u32 s1, s0  }
0xc3: {  	s0 =	sadd.s32 $0x8F2B, s0  }
0xc4: {  	[sflag:s0] =	ssyncadd.remote.s32 $0x1  }
0xc5: {  	_ =	sfence.sel $0xFFFF  }
0xc6: {  	[dreg:$0x0] =	wrdreg $0xFFFFFFFF;
	(pc) =	sbr.abs _section_cstart, $3  }
0xc7: {  	[dreg:$0x1] =	wrdreg $0xFFFFFFFF  }
0xc8: {  	_ =	task.clear_ibuf [dreg:s8], $0x2FFFF;
	_ =	strace $0x9FFFFFFF  }
0xc9: {  	(tm) =	ssettm $0x7FFFFFFF  }
tec
execute0_lowered:
.L_overlay_start_1:
0x0: {  	(tag) =	ssettag $0x1  }
0x1: {  	s1 =	srdreg.scid  }
0x2: {  	s4 =	rddreg [dreg:$0x0];
	s0 =	stileid.u32;
	s9 =	sand.u32 $0x1, s1  }
0x3: {  	s2 =	rddreg [dreg:$0x1];
	s30 =	sshll.u32 s0, $0x4;
	s3 =	sshll.u32 s9, $0x3  }
0x4: {  	s14 =	rddreg [dreg:$0x2];
	s15 =	sor.u32 s3, s30  }
0x5: {  	s1 =	rddreg [dreg:$0x3];
	s3 =	simm.s32 $0x0;
	s5 =	sshrl.u32 s15, $0x3  }
0x6: {  	[smem:$0x7FF] =	sst s3;
	s4 =	sadd.s32 s5, s4  }
0x7: {  	_ =	strace $0x80000047;
	s5 =	sadd.s32 $0x1800, s4;
	s4 =	simm.s32 $0x2  }
0x8: {  	[tilespmem:s3], [sflag:$0x2] =	stream.linear.gather [hbm4b:s5+s3], $0x8, $0x38;
	[tilespmem:$0x2080] =	vst v63  }
0x9: {  	_ =	swait.ge [sflag:s4], $0x8  }
0xa: {  	[sflag:s4] =	ssyncset.done $0x0  }
0xb: {  	[sflag:s4] =	ssyncadd.s32 $0xFFFFFFF8  }
0xc: {  	v0 =	vld.msk [tilespmem:$0x0], $0xff;
	_ =	sdelay $0x4  }
0xd: {  	v1 =	vshll.u32 v0, $0x3  }
0xe: {  	v2 =	vlaneseq.u32;
	v3 =	vand.u32 $0x7, v0;
	v1 =	vand.u32 $0xFFFFFFC0, v1  }
0xf: {  	v0 =	vand.u32 $0x7, v2;
	v2 =	vshrl.u32 v2, $0x3;
	v3 =	vor.u32 v3, v1  }
0x10: {  	v1 =	vmul.u32 $0x8, v2;
	v2 =	vperm.xlane v3, v0;
	_ =	sdelay $0x1  }
0x11: {  	v2 =	vadd.s32 v1, v2;
	_ =	sdelay $0x3  }
0x12: {  	vm0 =	vmmov $0xffff;
	s6 =	simm.s32 $0x80;
	s8 =	simm.s32 $0x880;
	s16 =	ssub.s32 $0x2, s9  }
0x13: {  	[tilespmem:s6], [sflag:$0x1] =	stream.indirect_vreg.gather [hbm4b:s2+s3], $0x80, v2, vm0, $0xb8;
	[tilespmem:$0x2080] =	vst v63  }
0x14: {  	s10 =	simm.s32 $0x1080;
	s7 =	sadd.s32 $0x100, s2;
	s17 =	sshrl.u32 s16, $0x1  }
0x15: {  	[tilespmem:s8], [sflag:$0x1] =	stream.indirect_vreg.gather [hbm4b:s7+s3], $0x80, v2, vm0, $0xb8;
	[tilespmem:$0x2080] =	vst v63  }
0x16: {  	s12 =	simm.s32 $0x1880;
	s9 =	sadd.s32 $0x200, s2;
	s16 =	ssub.s32 s16, s17  }
0x17: {  	[tilespmem:s10], [sflag:$0x1] =	stream.indirect_vreg.gather [hbm4b:s9+s3], $0x80, v2, vm0, $0xb8;
	[tilespmem:$0x2080] =	vst v63  }
0x18: {  	s13 =	simm.s32 $0x1;
	s11 =	sadd.s32 $0x300, s2;
	s31 =	smax.u32 s16, $0x1  }
0x19: {  	[tilespmem:s12], [sflag:$0x1] =	stream.indirect_vreg.gather [hbm4b:s11+s3], $0x80, v2, vm0, $0xb8;
	[tilespmem:$0x2080] =	vst v63  }
0x1a: {  	p0 =	sne.s32 s31, $0x1;
	_ =	swait.ge [sflag:s13], $0x2000  }
.Ltmp0:
0x1b: {  	s15 =	sshll.u32 s15, $0x7;
	[sflag:s13] =	ssyncset.done $0x0;
	(pc) =	sbr.rel @!p0 .LBB2_2-.Ltmp0, $4  }
0x1c: {  	s14 =	sadd.s32 s14, s15;
	[sflag:s13] =	ssyncadd.s32 $0xFFFFE000  }
0x1d: {  	[hbm4b:s14+s3] =	stream.linear.scatter [tilespmem:s6], [sflag:$0x2], $0x2000, $0x38;
	[tilespmem:$0x2080] =	vst v63  }
0x1e: {  	_ =	swait.ge [sflag:s4], $0x2000  }
0x1f: {  	s15 =	sadd.s32 $0xFFFFFFFF, s31;
	[sflag:s4] =	ssyncset.done $0x0  }
.LBB2_1:
0x20: {  	p0 =	sne.s32 s15, $0x1;
	s15 =	sadd.s32 $0xFFFFFFFF, s15;
	[sflag:s4] =	ssyncadd.s32 $0xFFFFE000  }
0x21: {  	[tilespmem:s3], [sflag:$0x2] =	stream.linear.gather [hbm4b:s5+s3], $0x8, $0x38;
	[tilespmem:$0x2080] =	vst v63  }
0x22: {  	_ =	swait.ge [sflag:s4], $0x8  }
0x23: {  	[sflag:s4] =	ssyncset.done $0x0  }
0x24: {  	[sflag:s4] =	ssyncadd.s32 $0xFFFFFFF8  }
0x25: {  	v2 =	vld.msk [tilespmem:$0x0], $0xff;
	_ =	sdelay $0x4  }
0x26: {  	v3 =	vshll.u32 v2, $0x3  }
0x27: {  	v2 =	vand.u32 $0x7, v2;
	v3 =	vand.u32 $0xFFFFFFC0, v3  }
0x28: {  	v2 =	vor.u32 v2, v3  }
0x29: {  	v2 =	vperm.xlane v2, v0;
	_ =	sdelay $0x1  }
0x2a: {  	v2 =	vadd.s32 v1, v2;
	_ =	sdelay $0x4  }
0x2b: {  	[tilespmem:s6], [sflag:$0x1] =	stream.indirect_vreg.gather [hbm4b:s2+s3], $0x80, v2, vm0, $0xb8;
	[tilespmem:$0x2080] =	vst v63  }
0x2c: {  	_ = 	snop  }
0x2d: {  	[tilespmem:s8], [sflag:$0x1] =	stream.indirect_vreg.gather [hbm4b:s7+s3], $0x80, v2, vm0, $0xb8;
	[tilespmem:$0x2080] =	vst v63  }
0x2e: {  	_ = 	snop  }
0x2f: {  	[tilespmem:s10], [sflag:$0x1] =	stream.indirect_vreg.gather [hbm4b:s9+s3], $0x80, v2, vm0, $0xb8;
	[tilespmem:$0x2080] =	vst v63  }
0x30: {  	_ = 	snop  }
0x31: {  	[tilespmem:s12], [sflag:$0x1] =	stream.indirect_vreg.gather [hbm4b:s11+s3], $0x80, v2, vm0, $0xb8;
	[tilespmem:$0x2080] =	vst v63  }
0x32: {  	_ =	swait.ge [sflag:s13], $0x2000  }
.Ltmp1:
0x33: {  	[sflag:s13] =	ssyncset.done $0x0;
	(pc) =	sbr.rel @p0 .LBB2_1-.Ltmp1, $4  }
0x34: {  	[sflag:s13] =	ssyncadd.s32 $0xFFFFE000  }
0x35: {  	[hbm4b:s14+s3] =	stream.linear.scatter [tilespmem:s6], [sflag:$0x2], $0x2000, $0x38;
	[tilespmem:$0x2080] =	vst v63  }
0x36: {  	_ =	swait.ge [sflag:s4], $0x2000  }
0x37: {  	[sflag:s4] =	ssyncset.done $0x0  }
.LBB2_2:
0x38: {  	[sflag:s4] =	ssyncadd.s32 $0xFFFFE000  }
0x39: {  	_ =	sfence.sel $0x180000  }
0x3a: {  	[bflag:$0x0] =	sbarrier.arrive $0xFFFF  }
0x3b: {  	p0 =	sne.s32 s0, $0x0;
	_ =	strace $0x90000047  }
0x3c: {  	s0 =	sadd.s32 @!p0 $0x100000, s1;
	[bflag:$0x2] =	sbarrier.arrive $0xFFFF  }
0x3d: {  	[sflag:s0] =	ssyncadd.tile.s32 @!p0 $0x1;
	_ =	shalt  }
.Lfunc_end2:
_tile_overlayer_lowered:
.L_overlay_start_2:
0x3e: {  	(tag) =	ssettag $0x2  }
0x3f: {  	s0 =	rddreg [dreg:$0x0];
	s2 =	stileid.u32  }
0x40: {  	s1 =	rddreg [dreg:$0x1];
	p0 =	sne.s32 s2, $0x0  }
0x41: {  	s3 =	rddreg [dreg:$0x2];
	[bflag:$0x3] =	sbarrier.arrive $0xFFFF;
	s2 =	simm.s32 @!p0 $0x1C02  }
0x42: {  	[timem:s3], [sflag:s2] =	dma.local @!p0 [hbm:s0], s1  }
0x43: {  	s0 =	simm.s32 @!p0 $0x2  }
0x44: {  	_ =	swait.ge @!p0 [sflag:s0], s1  }
0x45: {  	s1 =	ssub.s32 @!p0 $0x0, s1;
	[sflag:s0] =	ssyncset.done @!p0 $0x0  }
0x46: {  	[sflag:s0] =	ssyncadd.s32 @!p0 s1  }
0x47: {  	[bflag:$0x3] =	sbarrier.arrive $0xFFFF  }
0x48: {  	_ =	shalt  }

</sc_bundles>
